<compile_context>
chip_gen: v7x
topology: tpu7x:2x2x1
jax: 0.10.2.dev20260603
libtpu: 0.0.44.dev20260713+nightly
codegen_flags: <defaults>
</compile_context>

<pallas_src>
import jax
import jax.numpy as jnp
from jax import lax
from jax.experimental import pallas as pl
from jax.experimental.pallas import tpu as pltpu
from jax.experimental.pallas import tpu_sc as plsc

N = 10000
E = 320000
D = 128
NC, NS, L = 2, 16, 16
NW = NC * NS
NPAD = 10240
RPT = NPAD // NS
EPW = E // NW
CH = 80
NCHUNK = EPW // CH
DCH = 125
NDCH = EPW // DCH
PDCH = 128
TCB = 512
GRID = NPAD // TCB

_MESH = plsc.VectorSubcoreMesh(
    core_axis_name="c", subcore_axis_name="s", num_cores=NC, num_subcores=NS
)


def _deg_body(row_hbm, degp_hbm, deg_sh, row_v, ones_v, zb_v):
    cid = lax.axis_index("c")
    sid = lax.axis_index("s")
    wid = cid * NS + sid
    pltpu.sync_copy(row_hbm.at[wid], row_v)

    def _init(i, _):
        zb_v[pl.ds(i * L, L)] = jnp.zeros((L,), jnp.float32)
        ones_v[pl.ds(i * L, L)] = jnp.ones((L,), jnp.float32)
        return 0

    lax.fori_loop(0, PDCH // L, _init, 0)

    def _zero(k, _):
        pltpu.sync_copy(zb_v, deg_sh.at[pl.ds(sid * RPT + k * PDCH, PDCH)])
        return 0

    lax.fori_loop(0, RPT // PDCH, _zero, 0)
    plsc.subcore_barrier()

    def _scat(c, _):
        pltpu.sync_copy(ones_v.at[pl.ds(0, DCH)], deg_sh.at[row_v.at[c]], add=True)
        return 0

    lax.fori_loop(0, NDCH, _scat, 0)
    plsc.subcore_barrier()
    pltpu.sync_copy(
        deg_sh.at[pl.ds(sid * RPT, RPT)],
        degp_hbm.at[cid, pl.ds(sid * RPT, RPT)],
    )


_deg_call = pl.kernel(
    _deg_body,
    out_type=jax.ShapeDtypeStruct((NC, NPAD), jnp.float32),
    mesh=_MESH,
    scratch_types=[
        pltpu.VMEM_SHARED((NPAD,), jnp.float32),
        pltpu.VMEM((NDCH, DCH), jnp.int32),
        pltpu.VMEM((PDCH,), jnp.float32),
        pltpu.VMEM((PDCH,), jnp.float32),
    ],
)


def _agg_body(col_hbm, row_hbm, xs_hbm, hp_hbm, h_sh, col_v, row_v,
              buf0, buf1, zb_v, sem0, sem1):
    cid = lax.axis_index("c")
    sid = lax.axis_index("s")
    wid = cid * NS + sid
    pltpu.sync_copy(col_hbm.at[pl.ds(wid * EPW, EPW)], col_v)
    pltpu.sync_copy(row_hbm.at[wid], row_v)

    def _cidx(c):
        return col_v.at[pl.ds(c * CH, CH)]

    pltpu.async_copy(xs_hbm.at[_cidx(0)], buf0, sem0)
    pltpu.async_copy(xs_hbm.at[_cidx(1)], buf1, sem1)

    def _zrow(r, _):
        for j in range(D // L):
            zb_v[r, pl.ds(j * L, L)] = jnp.zeros((L,), jnp.float32)
        return 0

    lax.fori_loop(0, L, _zrow, 0)

    def _zero(k, _):
        pltpu.sync_copy(zb_v, h_sh.at[pl.ds(sid * RPT + k * L, L), :])
        return 0

    lax.fori_loop(0, RPT // L, _zero, 0)
    plsc.subcore_barrier()

    def _step(c, _):
        even = (c % 2) == 0
        more = c + 2 < NCHUNK

        @pl.when(even)
        def _():
            pltpu.make_async_copy(xs_hbm.at[_cidx(c)], buf0, sem0).wait()
            pltpu.sync_copy(buf0, h_sh.at[row_v.at[c]], add=True)

            @pl.when(more)
            def _():
                pltpu.async_copy(xs_hbm.at[_cidx(c + 2)], buf0, sem0)

        @pl.when(jnp.logical_not(even))
        def _():
            pltpu.make_async_copy(xs_hbm.at[_cidx(c)], buf1, sem1).wait()
            pltpu.sync_copy(buf1, h_sh.at[row_v.at[c]], add=True)

            @pl.when(more)
            def _():
                pltpu.async_copy(xs_hbm.at[_cidx(c + 2)], buf1, sem1)

        return 0

    lax.fori_loop(0, NCHUNK, _step, 0)
    plsc.subcore_barrier()

    def _out(k, _):
        r0 = sid * RPT + k * CH
        pltpu.sync_copy(h_sh.at[pl.ds(r0, CH), :], hp_hbm.at[cid, pl.ds(r0, CH), :])
        return 0

    lax.fori_loop(0, RPT // CH, _out, 0)


_agg_call = pl.kernel(
    _agg_body,
    out_type=jax.ShapeDtypeStruct((NC, NPAD, D), jnp.float32),
    mesh=_MESH,
    scratch_types=[
        pltpu.VMEM_SHARED((NPAD, D), jnp.float32),
        pltpu.VMEM((EPW,), jnp.int32),
        pltpu.VMEM((NCHUNK, CH), jnp.int32),
        pltpu.VMEM((CH, D), jnp.float32),
        pltpu.VMEM((CH, D), jnp.float32),
        pltpu.VMEM((L, D), jnp.float32),
        pltpu.SemaphoreType.DMA,
        pltpu.SemaphoreType.DMA,
    ],
)


def _dinv_block(degp_ref):
    deg = (degp_ref[0, 0] + degp_ref[1, 0]).reshape(TCB)
    return jnp.where(deg > 0, lax.rsqrt(jnp.maximum(deg, 1.0)), 0.0)


def _xs_body(x_ref, degp_ref, xs_ref):
    dinv = _dinv_block(degp_ref)
    xs_ref[...] = x_ref[...] * dinv[:, None]


_xs_call = pl.pallas_call(
    _xs_body,
    grid=(GRID,),
    in_specs=[
        pl.BlockSpec((TCB, D), lambda g: (g, 0)),
        pl.BlockSpec((2, 1, 4, 128), lambda g: (0, g, 0, 0)),
    ],
    out_specs=pl.BlockSpec((TCB, D), lambda g: (g, 0)),
    out_shape=jax.ShapeDtypeStruct((NPAD, D), jnp.float32),
)


def _leaky(v):
    return jnp.where(v >= 0, v, 0.2 * v)


def _dense_body(x_ref, degp_ref, hp_ref, wg_ref, bg_ref, wi_ref, bi_ref, o_ref):
    dinv = _dinv_block(degp_ref)
    h = (hp_ref[0] + hp_ref[1]) * dinv[:, None]
    x = x_ref[...]
    h1 = _leaky(jnp.dot(h, wg_ref[...], preferred_element_type=jnp.float32)
                + bg_ref[...])
    h2 = _leaky(jnp.dot(x * h, wi_ref[...], preferred_element_type=jnp.float32)
                + bi_ref[...])
    out = h1 + h2
    sq = jnp.sum(out * out, axis=-1, keepdims=True)
    o_ref[...] = out * lax.rsqrt(jnp.maximum(sq, 1e-12))


_dense_call = pl.pallas_call(
    _dense_body,
    grid=(GRID,),
    in_specs=[
        pl.BlockSpec((TCB, D), lambda g: (g, 0)),
        pl.BlockSpec((2, 1, 4, 128), lambda g: (0, g, 0, 0)),
        pl.BlockSpec((2, TCB, D), lambda g: (0, g, 0)),
        pl.BlockSpec((D, D), lambda g: (0, 0)),
        pl.BlockSpec((1, D), lambda g: (0, 0)),
        pl.BlockSpec((D, D), lambda g: (0, 0)),
        pl.BlockSpec((1, D), lambda g: (0, 0)),
    ],
    out_specs=pl.BlockSpec((TCB, D), lambda g: (g, 0)),
    out_shape=jax.ShapeDtypeStruct((NPAD, D), jnp.float32),
)


def kernel(x, edge_index, W_gcn, b_gcn, W_int, b_int):
    row = edge_index[0].astype(jnp.int32)
    col = edge_index[1].astype(jnp.int32)
    row_agg = row.reshape(NW, NCHUNK, CH)
    x_pad = jnp.pad(x, ((0, NPAD - N), (0, 0)))
    degp = _deg_call(row.reshape(NW, NDCH, DCH))
    degp4 = degp.reshape(2, GRID, 4, 128)
    xs = _xs_call(x_pad, degp4)
    hp = _agg_call(col, row_agg, xs)
    out = _dense_call(x_pad, degp4, hp, W_gcn, b_gcn.reshape(1, D),
                      W_int, b_int.reshape(1, D))
    return out[:N]

# --- scband reference (transcript-rebuilt; emitter-appended) ---
"""Pipeline reference for scband-ngcfconv-5153960755314 (READ-ONLY COPY).

The authoritative reference and input builder live on the scoring server;
editing this copy changes nothing except your own understanding.
"""

import jax, jax.numpy as jnp
import numpy as np

N = 10000
E = 320000
D = 128


def setup_inputs(seed: int = 0) -> dict:
    key = jax.random.key(seed)
    k1, k2, k3, k4, k5, k6 = jax.random.split(key, 6)
    x = jax.random.normal(k1, (N, D), dtype=jnp.float32)
    edge_index = jax.random.randint(k2, (2, E), 0, N, dtype=jnp.int32).astype(jnp.int64)
    scale = np.sqrt(2.0 / (D + D)).astype(np.float32)
    W_gcn = jax.random.normal(k3, (D, D), dtype=jnp.float32) * scale
    b_gcn = jnp.zeros((D,), dtype=jnp.float32)
    W_int = jax.random.normal(k4, (D, D), dtype=jnp.float32) * scale
    b_int = jnp.zeros((D,), dtype=jnp.float32)
    return {"x": x, "edge_index": edge_index, "W_gcn": W_gcn, "b_gcn": b_gcn, "W_int": W_int, "b_int": b_int}


def _leaky_relu(v):
    # tf.nn.leaky_relu default alpha = 0.2
    return jnp.where(v >= 0, v, 0.2 * v)


def reference(x, edge_index, W_gcn, b_gcn, W_int, b_int):
    num_nodes = x.shape[0]
    row = edge_index[0]
    col = edge_index[1]
    # LightGCN.norm_adj: symmetric GCN normalization D^{-1/2} A D^{-1/2} (no self loops)
    deg = jnp.zeros((num_nodes,), dtype=x.dtype).at[row].add(1.0)
    deg_inv_sqrt = jnp.where(deg > 0, jax.lax.rsqrt(jnp.maximum(deg, 1.0)), 0.0)
    w = deg_inv_sqrt[row] * deg_inv_sqrt[col]
    # normed_adj @ x : scatter-add of weighted source features into destination rows
    h = jnp.zeros_like(x).at[row].add(x[col] * w[:, None])
    h1 = _leaky_relu(h @ W_gcn + b_gcn)
    h2 = _leaky_relu((x * h) @ W_int + b_int)
    out = h1 + h2
    # tf.nn.l2_normalize(out, axis=-1)
    sq = jnp.sum(out * out, axis=-1, keepdims=True)
    out = out * jax.lax.rsqrt(jnp.maximum(sq, 1e-12))
    return out

if __name__ == "__main__":
    import jax
    _d = setup_inputs()
    print(jax.jit(kernel)(*tuple(_d.values())))

</pallas_src>

<mosaic_0001>
#map = affine_map<(d0, d1) -> (0)>
#map1 = affine_map<(d0, d1) -> (0, 0, 0)>
#map2 = affine_map<(d0, d1) -> (0, 0)>
module attributes {stable_mosaic.version = 14 : i64} {
  func.func @_agg_body(%arg0: i32, %arg1: i32, %arg2: memref<320000xi32, #tpu.memory_space<hbm>>, %arg3: memref<32x125x80xi32, #tpu.memory_space<hbm>>, %arg4: memref<10240x128xf32, #tpu.memory_space<hbm>>, %arg5: memref<2x10240x128xf32, #tpu.memory_space<hbm>>, %arg6: memref<10240x128xf32, #tpu.memory_space<vmem_shared>>, %arg7: memref<10000xi32, #tpu.memory_space<vmem>>, %arg8: memref<125x80xi32, #tpu.memory_space<vmem>>, %arg9: memref<80x128xf32, #tpu.memory_space<vmem>>, %arg10: memref<80x128xf32, #tpu.memory_space<vmem>>, %arg11: memref<16x128xf32, #tpu.memory_space<vmem>>, %arg12: memref<!tpu.dma_semaphore, #tpu.memory_space<semaphore_mem>>, %arg13: memref<!tpu.dma_semaphore, #tpu.memory_space<semaphore_mem>>) attributes {dimension_semantics = [#tpu.dimension_semantics<core_parallel>, #tpu.dimension_semantics<subcore_parallel>], iteration_bounds = array<i64: 2, 16>, scalar_prefetch = 0 : i64, scratch_operands = 8 : i64, tpu.core_type = #tpu.core_type<sc_vector_subcore>, window_params = [{transform_indices = #map}, {transform_indices = #map1}, {transform_indices = #map2}, {transform_indices = #map1}]} {
    %mul3A = arith.constant 16 : i32
    %mul3A_0 = arith.muli %arg0, %mul3A : i32
    %add3A = arith.addi %mul3A_0, %arg1 : i32
    %mul3A_1 = arith.constant 10000 : i32
    %mul3A_2 = arith.muli %add3A, %mul3A_1 : i32
    "tpu.region"() ({
      %run_scoped3A = tpu.sem_alloc : memref<!tpu.dma_semaphore, #tpu.memory_space<semaphore_mem>>
      %dma_start3A_40 = tpu.memref_slice %arg2[%mul3A_2] : memref<320000xi32, #tpu.memory_space<hbm>> -> memref<10000xi32, #tpu.memory_space<hbm>>
      %dma_start3A_41 = tpu.memref_slice %arg2[%mul3A_2] : memref<320000xi32, #tpu.memory_space<hbm>> -> memref<10000xi32, #tpu.memory_space<hbm>>
      tpu.enqueue_dma source(%dma_start3A_41 : memref<10000xi32, #tpu.memory_space<hbm>>) target(%arg7 : memref<10000xi32, #tpu.memory_space<vmem>>) target_semaphore(%run_scoped3A : memref<!tpu.dma_semaphore, #tpu.memory_space<semaphore_mem>>)
      %dma_wait3A = tpu.memref_slice %arg2[%mul3A_2] : memref<320000xi32, #tpu.memory_space<hbm>> -> memref<10000xi32, #tpu.memory_space<hbm>>
      %dma_wait3A_42 = tpu.memref_slice %arg2[%mul3A_2] : memref<320000xi32, #tpu.memory_space<hbm>> -> memref<10000xi32, #tpu.memory_space<hbm>>
      tpu.wait_dma2 semaphore(%run_scoped3A : memref<!tpu.dma_semaphore, #tpu.memory_space<semaphore_mem>>) src(%dma_wait3A_42 : memref<10000xi32, #tpu.memory_space<hbm>>) dst(%arg7 : memref<10000xi32, #tpu.memory_space<vmem>>)
      tpu.yield
    }) : () -> ()
    "tpu.region"() ({
      %run_scoped3A = tpu.sem_alloc : memref<!tpu.dma_semaphore, #tpu.memory_space<semaphore_mem>>
      %dma_start3A_40 = arith.constant 0 : i32
      %dma_start3A_41 = arith.constant 0 : i32
      %dma_start3A_42 = tpu.memref_slice %arg3[%add3A, %dma_start3A_40, %dma_start3A_41] : memref<32x125x80xi32, #tpu.memory_space<hbm>> -> memref<1x125x80xi32, #tpu.memory_space<hbm>>
      %dma_start3A_43 = tpu.memref_squeeze %dma_start3A_42 : memref<1x125x80xi32, #tpu.memory_space<hbm>> -> memref<125x80xi32, #tpu.memory_space<hbm>>
      %dma_start3A_44 = arith.constant 0 : i32
      %dma_start3A_45 = arith.constant 0 : i32
      %dma_start3A_46 = tpu.memref_slice %arg3[%add3A, %dma_start3A_44, %dma_start3A_45] : memref<32x125x80xi32, #tpu.memory_space<hbm>> -> memref<1x125x80xi32, #tpu.memory_space<hbm>>
      %dma_start3A_47 = tpu.memref_squeeze %dma_start3A_46 : memref<1x125x80xi32, #tpu.memory_space<hbm>> -> memref<125x80xi32, #tpu.memory_space<hbm>>
      tpu.enqueue_dma source(%dma_start3A_47 : memref<125x80xi32, #tpu.memory_space<hbm>>) target(%arg8 : memref<125x80xi32, #tpu.memory_space<vmem>>) target_semaphore(%run_scoped3A : memref<!tpu.dma_semaphore, #tpu.memory_space<semaphore_mem>>)
      %dma_wait3A = arith.constant 0 : i32
      %dma_wait3A_48 = arith.constant 0 : i32
      %dma_wait3A_49 = tpu.memref_slice %arg3[%add3A, %dma_wait3A, %dma_wait3A_48] : memref<32x125x80xi32, #tpu.memory_space<hbm>> -> memref<1x125x80xi32, #tpu.memory_space<hbm>>
      %dma_wait3A_50 = tpu.memref_squeeze %dma_wait3A_49 : memref<1x125x80xi32, #tpu.memory_space<hbm>> -> memref<125x80xi32, #tpu.memory_space<hbm>>
      %dma_wait3A_51 = arith.constant 0 : i32
      %dma_wait3A_52 = arith.constant 0 : i32
      %dma_wait3A_53 = tpu.memref_slice %arg3[%add3A, %dma_wait3A_51, %dma_wait3A_52] : memref<32x125x80xi32, #tpu.memory_space<hbm>> -> memref<1x125x80xi32, #tpu.memory_space<hbm>>
      %dma_wait3A_54 = tpu.memref_squeeze %dma_wait3A_53 : memref<1x125x80xi32, #tpu.memory_space<hbm>> -> memref<125x80xi32, #tpu.memory_space<hbm>>
      tpu.wait_dma2 semaphore(%run_scoped3A : memref<!tpu.dma_semaphore, #tpu.memory_space<semaphore_mem>>) src(%dma_wait3A_54 : memref<125x80xi32, #tpu.memory_space<hbm>>) dst(%arg8 : memref<125x80xi32, #tpu.memory_space<vmem>>)
      tpu.yield
    }) : () -> ()
    %dma_start3A = arith.constant 0 : i32
    %dma_start3A_3 = tpu.memref_slice %arg7[%dma_start3A] : memref<10000xi32, #tpu.memory_space<vmem>> -> memref<80xi32, #tpu.memory_space<vmem>>
    %dma_start3A_4 = arith.constant 0 : i32
    %dma_start3A_5 = arith.constant 0 : i32
    %dma_start3A_6 = tpu.memref_slice %arg4[%dma_start3A_4, %dma_start3A_5] : memref<10240x128xf32, #tpu.memory_space<hbm>> -> memref<10240x128xf32, #tpu.memory_space<hbm>>
    tpu.enqueue_indirect_dma source(%dma_start3A_6 : memref<10240x128xf32, #tpu.memory_space<hbm>>) target(%arg9 : memref<80x128xf32, #tpu.memory_space<vmem>>) offsets(%dma_start3A_3 : memref<80xi32, #tpu.memory_space<vmem>>) semaphore(%arg12 : memref<!tpu.dma_semaphore, #tpu.memory_space<semaphore_mem>>)
    %dma_start3A_7 = arith.constant 80 : i32
    %dma_start3A_8 = tpu.memref_slice %arg7[%dma_start3A_7] : memref<10000xi32, #tpu.memory_space<vmem>> -> memref<80xi32, #tpu.memory_space<vmem>>
    %dma_start3A_9 = arith.constant 0 : i32
    %dma_start3A_10 = arith.constant 0 : i32
    %dma_start3A_11 = tpu.memref_slice %arg4[%dma_start3A_9, %dma_start3A_10] : memref<10240x128xf32, #tpu.memory_space<hbm>> -> memref<10240x128xf32, #tpu.memory_space<hbm>>
    tpu.enqueue_indirect_dma source(%dma_start3A_11 : memref<10240x128xf32, #tpu.memory_space<hbm>>) target(%arg10 : memref<80x128xf32, #tpu.memory_space<vmem>>) offsets(%dma_start3A_8 : memref<80xi32, #tpu.memory_space<vmem>>) semaphore(%arg13 : memref<!tpu.dma_semaphore, #tpu.memory_space<semaphore_mem>>)
    %scan3A = arith.constant 0 : i32
    %scan3A_12 = arith.constant 0 : i32
    %scan3A_13 = arith.constant 16 : i32
    %scan3A_14 = arith.addi %scan3A_12, %scan3A_13 : i32
    %scan3A_15 = arith.constant 1 : i32
    %scan3A_16 = scf.for %scan3A_40 = %scan3A_12 to %scan3A_14 step %scan3A_15 iter_args(%scan3A_41 = %scan3A) -> (i32)  : i32 {
      %broadcast_in_dim3A = arith.constant 0.000000e+00 : f32
      %broadcast_in_dim3A_42 = vector.broadcast %broadcast_in_dim3A : f32 to vector<16xf32>
      %swap3A = arith.index_cast %scan3A_40 : i32 to index
      %swap3A_43 = arith.constant 0 : index
      %swap3A_44 = tpu.vector_load %arg11[%swap3A, %swap3A_43] {strides = array<i32>} : memref<16x128xf32, #tpu.memory_space<vmem>>, vector<1x16xf32>,
      %swap3A_45 = vector.shape_cast %swap3A_44 : vector<1x16xf32> to vector<16xf32>
      %swap3A_46 = vector.shape_cast %broadcast_in_dim3A_42 : vector<16xf32> to vector<1x16xf32>
      tpu.vector_store %arg11[%swap3A, %swap3A_43], %swap3A_46 {strides = array<i32>} : memref<16x128xf32, #tpu.memory_space<vmem>>, vector<1x16xf32>,
      %broadcast_in_dim3A_47 = arith.constant 0.000000e+00 : f32
      %broadcast_in_dim3A_48 = vector.broadcast %broadcast_in_dim3A_47 : f32 to vector<16xf32>
      %swap3A_49 = arith.index_cast %scan3A_40 : i32 to index
      %swap3A_50 = arith.constant 16 : index
      %swap3A_51 = tpu.vector_load %arg11[%swap3A_49, %swap3A_50] {strides = array<i32>} : memref<16x128xf32, #tpu.memory_space<vmem>>, vector<1x16xf32>,
      %swap3A_52 = vector.shape_cast %swap3A_51 : vector<1x16xf32> to vector<16xf32>
      %swap3A_53 = vector.shape_cast %broadcast_in_dim3A_48 : vector<16xf32> to vector<1x16xf32>
      tpu.vector_store %arg11[%swap3A_49, %swap3A_50], %swap3A_53 {strides = array<i32>} : memref<16x128xf32, #tpu.memory_space<vmem>>, vector<1x16xf32>,
      %broadcast_in_dim3A_54 = arith.constant 0.000000e+00 : f32
      %broadcast_in_dim3A_55 = vector.broadcast %broadcast_in_dim3A_54 : f32 to vector<16xf32>
      %swap3A_56 = arith.index_cast %scan3A_40 : i32 to index
      %swap3A_57 = arith.constant 32 : index
      %swap3A_58 = tpu.vector_load %arg11[%swap3A_56, %swap3A_57] {strides = array<i32>} : memref<16x128xf32, #tpu.memory_space<vmem>>, vector<1x16xf32>,
      %swap3A_59 = vector.shape_cast %swap3A_58 : vector<1x16xf32> to vector<16xf32>
      %swap3A_60 = vector.shape_cast %broadcast_in_dim3A_55 : vector<16xf32> to vector<1x16xf32>
      tpu.vector_store %arg11[%swap3A_56, %swap3A_57], %swap3A_60 {strides = array<i32>} : memref<16x128xf32, #tpu.memory_space<vmem>>, vector<1x16xf32>,
      %broadcast_in_dim3A_61 = arith.constant 0.000000e+00 : f32
      %broadcast_in_dim3A_62 = vector.broadcast %broadcast_in_dim3A_61 : f32 to vector<16xf32>
      %swap3A_63 = arith.index_cast %scan3A_40 : i32 to index
      %swap3A_64 = arith.constant 48 : index
      %swap3A_65 = tpu.vector_load %arg11[%swap3A_63, %swap3A_64] {strides = array<i32>} : memref<16x128xf32, #tpu.memory_space<vmem>>, vector<1x16xf32>,
      %swap3A_66 = vector.shape_cast %swap3A_65 : vector<1x16xf32> to vector<16xf32>
      %swap3A_67 = vector.shape_cast %broadcast_in_dim3A_62 : vector<16xf32> to vector<1x16xf32>
      tpu.vector_store %arg11[%swap3A_63, %swap3A_64], %swap3A_67 {strides = array<i32>} : memref<16x128xf32, #tpu.memory_space<vmem>>, vector<1x16xf32>,
      %broadcast_in_dim3A_68 = arith.constant 0.000000e+00 : f32
      %broadcast_in_dim3A_69 = vector.broadcast %broadcast_in_dim3A_68 : f32 to vector<16xf32>
      %swap3A_70 = arith.index_cast %scan3A_40 : i32 to index
      %swap3A_71 = arith.constant 64 : index
      %swap3A_72 = tpu.vector_load %arg11[%swap3A_70, %swap3A_71] {strides = array<i32>} : memref<16x128xf32, #tpu.memory_space<vmem>>, vector<1x16xf32>,
      %swap3A_73 = vector.shape_cast %swap3A_72 : vector<1x16xf32> to vector<16xf32>
      %swap3A_74 = vector.shape_cast %broadcast_in_dim3A_69 : vector<16xf32> to vector<1x16xf32>
      tpu.vector_store %arg11[%swap3A_70, %swap3A_71], %swap3A_74 {strides = array<i32>} : memref<16x128xf32, #tpu.memory_space<vmem>>, vector<1x16xf32>,
      %broadcast_in_dim3A_75 = arith.constant 0.000000e+00 : f32
      %broadcast_in_dim3A_76 = vector.broadcast %broadcast_in_dim3A_75 : f32 to vector<16xf32>
      %swap3A_77 = arith.index_cast %scan3A_40 : i32 to index
      %swap3A_78 = arith.constant 80 : index
      %swap3A_79 = tpu.vector_load %arg11[%swap3A_77, %swap3A_78] {strides = array<i32>} : memref<16x128xf32, #tpu.memory_space<vmem>>, vector<1x16xf32>,
      %swap3A_80 = vector.shape_cast %swap3A_79 : vector<1x16xf32> to vector<16xf32>
      %swap3A_81 = vector.shape_cast %broadcast_in_dim3A_76 : vector<16xf32> to vector<1x16xf32>
      tpu.vector_store %arg11[%swap3A_77, %swap3A_78], %swap3A_81 {strides = array<i32>} : memref<16x128xf32, #tpu.memory_space<vmem>>, vector<1x16xf32>,
      %broadcast_in_dim3A_82 = arith.constant 0.000000e+00 : f32
      %broadcast_in_dim3A_83 = vector.broadcast %broadcast_in_dim3A_82 : f32 to vector<16xf32>
      %swap3A_84 = arith.index_cast %scan3A_40 : i32 to index
      %swap3A_85 = arith.constant 96 : index
      %swap3A_86 = tpu.vector_load %arg11[%swap3A_84, %swap3A_85] {strides = array<i32>} : memref<16x128xf32, #tpu.memory_space<vmem>>, vector<1x16xf32>,
      %swap3A_87 = vector.shape_cast %swap3A_86 : vector<1x16xf32> to vector<16xf32>
      %swap3A_88 = vector.shape_cast %broadcast_in_dim3A_83 : vector<16xf32> to vector<1x16xf32>
      tpu.vector_store %arg11[%swap3A_84, %swap3A_85], %swap3A_88 {strides = array<i32>} : memref<16x128xf32, #tpu.memory_space<vmem>>, vector<1x16xf32>,
      %broadcast_in_dim3A_89 = arith.constant 0.000000e+00 : f32
      %broadcast_in_dim3A_90 = vector.broadcast %broadcast_in_dim3A_89 : f32 to vector<16xf32>
      %swap3A_91 = arith.index_cast %scan3A_40 : i32 to index
      %swap3A_92 = arith.constant 112 : index
      %swap3A_93 = tpu.vector_load %arg11[%swap3A_91, %swap3A_92] {strides = array<i32>} : memref<16x128xf32, #tpu.memory_space<vmem>>, vector<1x16xf32>,
      %swap3A_94 = vector.shape_cast %swap3A_93 : vector<1x16xf32> to vector<16xf32>
      %swap3A_95 = vector.shape_cast %broadcast_in_dim3A_90 : vector<16xf32> to vector<1x16xf32>
      tpu.vector_store %arg11[%swap3A_91, %swap3A_92], %swap3A_95 {strides = array<i32>} : memref<16x128xf32, #tpu.memory_space<vmem>>, vector<1x16xf32>,
      %scan3A_96 = arith.constant 0 : i32
      scf.yield %scan3A_96 : i32
    }
    %scan3A_17 = arith.constant 16 : i32
    %scan3A_18 = arith.constant 0 : i32
    %scan3A_19 = arith.constant 0 : i32
    %scan3A_20 = arith.constant 40 : i32
    %scan3A_21 = arith.addi %scan3A_19, %scan3A_20 : i32
    %scan3A_22 = arith.constant 1 : i32
    %scan3A_23 = scf.for %scan3A_40 = %scan3A_19 to %scan3A_21 step %scan3A_22 iter_args(%scan3A_41 = %scan3A_18) -> (i32)  : i32 {
      %mul3A_42 = arith.constant 640 : i32
      %mul3A_43 = arith.muli %arg1, %mul3A_42 : i32
      %mul3A_44 = arith.constant 16 : i32
      %mul3A_45 = arith.muli %scan3A_40, %mul3A_44 : i32
      %add3A_46 = arith.addi %mul3A_43, %mul3A_45 : i32
      "tpu.region"() ({
        %run_scoped3A = tpu.sem_alloc : memref<!tpu.dma_semaphore, #tpu.memory_space<semaphore_mem>>
        %dma_start3A_48 = arith.constant 0 : i32
        %dma_start3A_49 = tpu.memref_slice %arg6[%add3A_46, %dma_start3A_48] : memref<10240x128xf32, #tpu.memory_space<vmem_shared>> -> memref<16x128xf32, #tpu.memory_space<vmem_shared>>
        %dma_start3A_50 = arith.constant 0 : i32
        %dma_start3A_51 = tpu.memref_slice %arg6[%add3A_46, %dma_start3A_50] : memref<10240x128xf32, #tpu.memory_space<vmem_shared>> -> memref<16x128xf32, #tpu.memory_space<vmem_shared>>
        tpu.enqueue_dma source(%arg11 : memref<16x128xf32, #tpu.memory_space<vmem>>) target(%dma_start3A_51 : memref<16x128xf32, #tpu.memory_space<vmem_shared>>) target_semaphore(%run_scoped3A : memref<!tpu.dma_semaphore, #tpu.memory_space<semaphore_mem>>)
        %dma_wait3A = arith.constant 0 : i32
        %dma_wait3A_52 = tpu.memref_slice %arg6[%add3A_46, %dma_wait3A] : memref<10240x128xf32, #tpu.memory_space<vmem_shared>> -> memref<16x128xf32, #tpu.memory_space<vmem_shared>>
        %dma_wait3A_53 = arith.constant 0 : i32
        %dma_wait3A_54 = tpu.memref_slice %arg6[%add3A_46, %dma_wait3A_53] : memref<10240x128xf32, #tpu.memory_space<vmem_shared>> -> memref<16x128xf32, #tpu.memory_space<vmem_shared>>
        tpu.wait_dma2 semaphore(%run_scoped3A : memref<!tpu.dma_semaphore, #tpu.memory_space<semaphore_mem>>) src(%arg11 : memref<16x128xf32, #tpu.memory_space<vmem>>) dst(%dma_wait3A_54 : memref<16x128xf32, #tpu.memory_space<vmem_shared>>)
        tpu.yield
      }) : () -> ()
      %scan3A_47 = arith.constant 0 : i32
      scf.yield %scan3A_47 : i32
    }
    %scan3A_24 = arith.constant 40 : i32
    %barrier3A = arith.constant 0 : index
    tpu.barrier barrier_id(%barrier3A)
    %scan3A_25 = arith.constant 0 : i32
    %scan3A_26 = arith.constant 0 : i32
    %scan3A_27 = arith.constant 125 : i32
    %scan3A_28 = arith.addi %scan3A_26, %scan3A_27 : i32
    %scan3A_29 = arith.constant 1 : i32
    %scan3A_30 = scf.for %scan3A_40 = %scan3A_26 to %scan3A_28 step %scan3A_29 iter_args(%scan3A_41 = %scan3A_25) -> (i32)  : i32 {
      %jit3A = arith.constant 2 : i32
      %eq3A = arith.constant 0 : i32
      %eq3A_42 = arith.cmpi eq, %jit3A, %eq3A : i32
      %jit3A_43 = arith.constant 1 : i32
      %select_n3A = arith.select %eq3A_42, %jit3A_43, %jit3A : i32
      %rem3A = arith.remsi %scan3A_40, %select_n3A : i32
      %ne3A = arith.constant 0 : i32
      %ne3A_44 = arith.cmpi ne, %rem3A, %ne3A : i32
      %lt3A = arith.constant 0 : i32
      %lt3A_45 = arith.cmpi slt, %rem3A, %lt3A : i32
      %lt3A_46 = arith.constant 0 : i32
      %lt3A_47 = arith.cmpi slt, %select_n3A, %lt3A_46 : i32
      %ne3A_48 = arith.xori %lt3A_45, %lt3A_47 : i1
      %and3A = arith.andi %ne3A_48, %ne3A_44 : i1
      %add3A_49 = arith.addi %rem3A, %select_n3A : i32
      %select_n3A_50 = arith.select %and3A, %add3A_49, %rem3A : i32
      %eq3A_51 = arith.constant 0 : i32
      %eq3A_52 = arith.cmpi eq, %select_n3A_50, %eq3A_51 : i32
      %add3A_53 = arith.constant 2 : i32
      %add3A_54 = arith.addi %scan3A_40, %add3A_53 : i32
      %lt3A_55 = arith.constant 125 : i32
      %lt3A_56 = arith.cmpi slt, %add3A_54, %lt3A_55 : i32
      %convert_element_type3A = arith.extui %eq3A_52 : i1 to i32
      %cond3A = arith.constant 0 : i32
      %cond3A_57 = arith.cmpi ne, %convert_element_type3A, %cond3A : i32
      scf.if %cond3A_57 {
        %mul3A_63 = arith.constant 80 : i32
        %mul3A_64 = arith.muli %scan3A_40, %mul3A_63 : i32
        %dma_wait3A = tpu.memref_slice %arg7[%mul3A_64] : memref<10000xi32, #tpu.memory_space<vmem>> -> memref<80xi32, #tpu.memory_space<vmem>>
        %dma_wait3A_65 = arith.constant 0 : i32
        %dma_wait3A_66 = arith.constant 0 : i32
        %dma_wait3A_67 = tpu.memref_slice %arg4[%dma_wait3A_65, %dma_wait3A_66] : memref<10240x128xf32, #tpu.memory_space<hbm>> -> memref<10240x128xf32, #tpu.memory_space<hbm>>
        tpu.wait_indirect_dma semaphore(%arg12 : memref<!tpu.dma_semaphore, #tpu.memory_space<semaphore_mem>>) src(%dma_wait3A_67 : memref<10240x128xf32, #tpu.memory_space<hbm>>) dst(%arg9 : memref<80x128xf32, #tpu.memory_space<vmem>>)
        "tpu.region"() ({
          %run_scoped3A = tpu.sem_alloc : memref<!tpu.dma_semaphore, #tpu.memory_space<semaphore_mem>>
          %dma_start3A_71 = arith.constant 0 : i32
          %dma_start3A_72 = tpu.memref_slice %arg8[%scan3A_40, %dma_start3A_71] : memref<125x80xi32, #tpu.memory_space<vmem>> -> memref<1x80xi32, #tpu.memory_space<vmem>>
          %dma_start3A_73 = tpu.memref_squeeze %dma_start3A_72 : memref<1x80xi32, #tpu.memory_space<vmem>> -> memref<80xi32, #tpu.memory_space<vmem>>
          %dma_start3A_74 = arith.constant 0 : i32
          %dma_start3A_75 = arith.constant 0 : i32
          %dma_start3A_76 = tpu.memref_slice %arg6[%dma_start3A_74, %dma_start3A_75] : memref<10240x128xf32, #tpu.memory_space<vmem_shared>> -> memref<10240x128xf32, #tpu.memory_space<vmem_shared>>
          tpu.enqueue_indirect_dma source(%arg9 : memref<80x128xf32, #tpu.memory_space<vmem>>) target(%dma_start3A_76 : memref<10240x128xf32, #tpu.memory_space<vmem_shared>>) offsets(%dma_start3A_73 : memref<80xi32, #tpu.memory_space<vmem>>) semaphore(%run_scoped3A : memref<!tpu.dma_semaphore, #tpu.memory_space<semaphore_mem>>) {add = true}
          %dma_wait3A_77 = arith.constant 0 : i32
          %dma_wait3A_78 = tpu.memref_slice %arg8[%scan3A_40, %dma_wait3A_77] : memref<125x80xi32, #tpu.memory_space<vmem>> -> memref<1x80xi32, #tpu.memory_space<vmem>>
          %dma_wait3A_79 = tpu.memref_squeeze %dma_wait3A_78 : memref<1x80xi32, #tpu.memory_space<vmem>> -> memref<80xi32, #tpu.memory_space<vmem>>
          %dma_wait3A_80 = arith.constant 0 : i32
          %dma_wait3A_81 = arith.constant 0 : i32
          %dma_wait3A_82 = tpu.memref_slice %arg6[%dma_wait3A_80, %dma_wait3A_81] : memref<10240x128xf32, #tpu.memory_space<vmem_shared>> -> memref<10240x128xf32, #tpu.memory_space<vmem_shared>>
          tpu.wait_indirect_dma semaphore(%run_scoped3A : memref<!tpu.dma_semaphore, #tpu.memory_space<semaphore_mem>>) src(%arg9 : memref<80x128xf32, #tpu.memory_space<vmem>>) dst(%dma_wait3A_82 : memref<10240x128xf32, #tpu.memory_space<vmem_shared>>)
          tpu.yield
        }) : () -> ()
        %convert_element_type3A_68 = arith.extui %lt3A_56 : i1 to i32
        %cond3A_69 = arith.constant 0 : i32
        %cond3A_70 = arith.cmpi ne, %convert_element_type3A_68, %cond3A_69 : i32
        scf.if %cond3A_70 {
          %add3A_71 = arith.constant 2 : i32
          %add3A_72 = arith.addi %scan3A_40, %add3A_71 : i32
          %mul3A_73 = arith.constant 80 : i32
          %mul3A_74 = arith.muli %add3A_72, %mul3A_73 : i32
          %dma_start3A_75 = tpu.memref_slice %arg7[%mul3A_74] : memref<10000xi32, #tpu.memory_space<vmem>> -> memref<80xi32, #tpu.memory_space<vmem>>
          %dma_start3A_76 = arith.constant 0 : i32
          %dma_start3A_77 = arith.constant 0 : i32
          %dma_start3A_78 = tpu.memref_slice %arg4[%dma_start3A_76, %dma_start3A_77] : memref<10240x128xf32, #tpu.memory_space<hbm>> -> memref<10240x128xf32, #tpu.memory_space<hbm>>
          tpu.enqueue_indirect_dma source(%dma_start3A_78 : memref<10240x128xf32, #tpu.memory_space<hbm>>) target(%arg9 : memref<80x128xf32, #tpu.memory_space<vmem>>) offsets(%dma_start3A_75 : memref<80xi32, #tpu.memory_space<vmem>>) semaphore(%arg12 : memref<!tpu.dma_semaphore, #tpu.memory_space<semaphore_mem>>)
        } else {
        }
      } else {
      }
      %not3A = arith.constant true
      %not3A_58 = arith.xori %eq3A_52, %not3A : i1
      %convert_element_type3A_59 = arith.extui %not3A_58 : i1 to i32
      %cond3A_60 = arith.constant 0 : i32
      %cond3A_61 = arith.cmpi ne, %convert_element_type3A_59, %cond3A_60 : i32
      scf.if %cond3A_61 {
        %mul3A_63 = arith.constant 80 : i32
        %mul3A_64 = arith.muli %scan3A_40, %mul3A_63 : i32
        %dma_wait3A = tpu.memref_slice %arg7[%mul3A_64] : memref<10000xi32, #tpu.memory_space<vmem>> -> memref<80xi32, #tpu.memory_space<vmem>>
        %dma_wait3A_65 = arith.constant 0 : i32
        %dma_wait3A_66 = arith.constant 0 : i32
        %dma_wait3A_67 = tpu.memref_slice %arg4[%dma_wait3A_65, %dma_wait3A_66] : memref<10240x128xf32, #tpu.memory_space<hbm>> -> memref<10240x128xf32, #tpu.memory_space<hbm>>
        tpu.wait_indirect_dma semaphore(%arg13 : memref<!tpu.dma_semaphore, #tpu.memory_space<semaphore_mem>>) src(%dma_wait3A_67 : memref<10240x128xf32, #tpu.memory_space<hbm>>) dst(%arg10 : memref<80x128xf32, #tpu.memory_space<vmem>>)
        "tpu.region"() ({
          %run_scoped3A = tpu.sem_alloc : memref<!tpu.dma_semaphore, #tpu.memory_space<semaphore_mem>>
          %dma_start3A_71 = arith.constant 0 : i32
          %dma_start3A_72 = tpu.memref_slice %arg8[%scan3A_40, %dma_start3A_71] : memref<125x80xi32, #tpu.memory_space<vmem>> -> memref<1x80xi32, #tpu.memory_space<vmem>>
          %dma_start3A_73 = tpu.memref_squeeze %dma_start3A_72 : memref<1x80xi32, #tpu.memory_space<vmem>> -> memref<80xi32, #tpu.memory_space<vmem>>
          %dma_start3A_74 = arith.constant 0 : i32
          %dma_start3A_75 = arith.constant 0 : i32
          %dma_start3A_76 = tpu.memref_slice %arg6[%dma_start3A_74, %dma_start3A_75] : memref<10240x128xf32, #tpu.memory_space<vmem_shared>> -> memref<10240x128xf32, #tpu.memory_space<vmem_shared>>
          tpu.enqueue_indirect_dma source(%arg10 : memref<80x128xf32, #tpu.memory_space<vmem>>) target(%dma_start3A_76 : memref<10240x128xf32, #tpu.memory_space<vmem_shared>>) offsets(%dma_start3A_73 : memref<80xi32, #tpu.memory_space<vmem>>) semaphore(%run_scoped3A : memref<!tpu.dma_semaphore, #tpu.memory_space<semaphore_mem>>) {add = true}
          %dma_wait3A_77 = arith.constant 0 : i32
          %dma_wait3A_78 = tpu.memref_slice %arg8[%scan3A_40, %dma_wait3A_77] : memref<125x80xi32, #tpu.memory_space<vmem>> -> memref<1x80xi32, #tpu.memory_space<vmem>>
          %dma_wait3A_79 = tpu.memref_squeeze %dma_wait3A_78 : memref<1x80xi32, #tpu.memory_space<vmem>> -> memref<80xi32, #tpu.memory_space<vmem>>
          %dma_wait3A_80 = arith.constant 0 : i32
          %dma_wait3A_81 = arith.constant 0 : i32
          %dma_wait3A_82 = tpu.memref_slice %arg6[%dma_wait3A_80, %dma_wait3A_81] : memref<10240x128xf32, #tpu.memory_space<vmem_shared>> -> memref<10240x128xf32, #tpu.memory_space<vmem_shared>>
          tpu.wait_indirect_dma semaphore(%run_scoped3A : memref<!tpu.dma_semaphore, #tpu.memory_space<semaphore_mem>>) src(%arg10 : memref<80x128xf32, #tpu.memory_space<vmem>>) dst(%dma_wait3A_82 : memref<10240x128xf32, #tpu.memory_space<vmem_shared>>)
          tpu.yield
        }) : () -> ()
        %convert_element_type3A_68 = arith.extui %lt3A_56 : i1 to i32
        %cond3A_69 = arith.constant 0 : i32
        %cond3A_70 = arith.cmpi ne, %convert_element_type3A_68, %cond3A_69 : i32
        scf.if %cond3A_70 {
          %add3A_71 = arith.constant 2 : i32
          %add3A_72 = arith.addi %scan3A_40, %add3A_71 : i32
          %mul3A_73 = arith.constant 80 : i32
          %mul3A_74 = arith.muli %add3A_72, %mul3A_73 : i32
          %dma_start3A_75 = tpu.memref_slice %arg7[%mul3A_74] : memref<10000xi32, #tpu.memory_space<vmem>> -> memref<80xi32, #tpu.memory_space<vmem>>
          %dma_start3A_76 = arith.constant 0 : i32
          %dma_start3A_77 = arith.constant 0 : i32
          %dma_start3A_78 = tpu.memref_slice %arg4[%dma_start3A_76, %dma_start3A_77] : memref<10240x128xf32, #tpu.memory_space<hbm>> -> memref<10240x128xf32, #tpu.memory_space<hbm>>
          tpu.enqueue_indirect_dma source(%dma_start3A_78 : memref<10240x128xf32, #tpu.memory_space<hbm>>) target(%arg10 : memref<80x128xf32, #tpu.memory_space<vmem>>) offsets(%dma_start3A_75 : memref<80xi32, #tpu.memory_space<vmem>>) semaphore(%arg13 : memref<!tpu.dma_semaphore, #tpu.memory_space<semaphore_mem>>)
        } else {
        }
      } else {
      }
      %scan3A_62 = arith.constant 0 : i32
      scf.yield %scan3A_62 : i32
    }
    %scan3A_31 = arith.constant 125 : i32
    %barrier3A_32 = arith.constant 0 : index
    tpu.barrier barrier_id(%barrier3A_32)
    %scan3A_33 = arith.constant 0 : i32
    %scan3A_34 = arith.constant 0 : i32
    %scan3A_35 = arith.constant 8 : i32
    %scan3A_36 = arith.addi %scan3A_34, %scan3A_35 : i32
    %scan3A_37 = arith.constant 1 : i32
    %scan3A_38 = scf.for %scan3A_40 = %scan3A_34 to %scan3A_36 step %scan3A_37 iter_args(%scan3A_41 = %scan3A_33) -> (i32)  : i32 {
      %mul3A_42 = arith.constant 640 : i32
      %mul3A_43 = arith.muli %arg1, %mul3A_42 : i32
      %mul3A_44 = arith.constant 80 : i32
      %mul3A_45 = arith.muli %scan3A_40, %mul3A_44 : i32
      %add3A_46 = arith.addi %mul3A_43, %mul3A_45 : i32
      "tpu.region"() ({
        %run_scoped3A = tpu.sem_alloc : memref<!tpu.dma_semaphore, #tpu.memory_space<semaphore_mem>>
        %dma_start3A_48 = arith.constant 0 : i32
        %dma_start3A_49 = tpu.memref_slice %arg5[%arg0, %add3A_46, %dma_start3A_48] : memref<2x10240x128xf32, #tpu.memory_space<hbm>> -> memref<1x80x128xf32, #tpu.memory_space<hbm>>
        %dma_start3A_50 = tpu.memref_squeeze %dma_start3A_49 : memref<1x80x128xf32, #tpu.memory_space<hbm>> -> memref<80x128xf32, #tpu.memory_space<hbm>>
        %dma_start3A_51 = arith.constant 0 : i32
        %dma_start3A_52 = tpu.memref_slice %arg6[%add3A_46, %dma_start3A_51] : memref<10240x128xf32, #tpu.memory_space<vmem_shared>> -> memref<80x128xf32, #tpu.memory_space<vmem_shared>>
        tpu.enqueue_dma source(%dma_start3A_52 : memref<80x128xf32, #tpu.memory_space<vmem_shared>>) target(%dma_start3A_50 : memref<80x128xf32, #tpu.memory_space<hbm>>) target_semaphore(%run_scoped3A : memref<!tpu.dma_semaphore, #tpu.memory_space<semaphore_mem>>)
        %dma_wait3A = arith.constant 0 : i32
        %dma_wait3A_53 = tpu.memref_slice %arg5[%arg0, %add3A_46, %dma_wait3A] : memref<2x10240x128xf32, #tpu.memory_space<hbm>> -> memref<1x80x128xf32, #tpu.memory_space<hbm>>
        %dma_wait3A_54 = tpu.memref_squeeze %dma_wait3A_53 : memref<1x80x128xf32, #tpu.memory_space<hbm>> -> memref<80x128xf32, #tpu.memory_space<hbm>>
        %dma_wait3A_55 = arith.constant 0 : i32
        %dma_wait3A_56 = tpu.memref_slice %arg6[%add3A_46, %dma_wait3A_55] : memref<10240x128xf32, #tpu.memory_space<vmem_shared>> -> memref<80x128xf32, #tpu.memory_space<vmem_shared>>
        tpu.wait_dma2 semaphore(%run_scoped3A : memref<!tpu.dma_semaphore, #tpu.memory_space<semaphore_mem>>) src(%dma_wait3A_56 : memref<80x128xf32, #tpu.memory_space<vmem_shared>>) dst(%dma_wait3A_54 : memref<80x128xf32, #tpu.memory_space<hbm>>)
        tpu.yield
      }) : () -> ()
      %scan3A_47 = arith.constant 0 : i32
      scf.yield %scan3A_47 : i32
    }
    %scan3A_39 = arith.constant 8 : i32
    return
  }
}

#map = affine_map<(d0, d1) -> (0, 0, 0)>
#map1 = affine_map<(d0, d1) -> (0, 0)>
module attributes {stable_mosaic.version = 14 : i64} {
  func.func @_deg_body(%arg0: i32, %arg1: i32, %arg2: memref<32x80x125xi32, #tpu.memory_space<hbm>>, %arg3: memref<2x10240xf32, #tpu.memory_space<hbm>>, %arg4: memref<10240xf32, #tpu.memory_space<vmem_shared>>, %arg5: memref<80x125xi32, #tpu.memory_space<vmem>>, %arg6: memref<128xf32, #tpu.memory_space<vmem>>, %arg7: memref<128xf32, #tpu.memory_space<vmem>>) attributes {dimension_semantics = [#tpu.dimension_semantics<core_parallel>, #tpu.dimension_semantics<subcore_parallel>], iteration_bounds = array<i64: 2, 16>, scalar_prefetch = 0 : i64, scratch_operands = 4 : i64, tpu.core_type = #tpu.core_type<sc_vector_subcore>, window_params = [{transform_indices = #map}, {transform_indices = #map1}]} {
    %mul3A = arith.constant 16 : i32
    %mul3A_0 = arith.muli %arg0, %mul3A : i32
    %add3A = arith.addi %mul3A_0, %arg1 : i32
    "tpu.region"() ({
      %run_scoped3A = tpu.sem_alloc : memref<!tpu.dma_semaphore, #tpu.memory_space<semaphore_mem>>
      %dma_start3A = arith.constant 0 : i32
      %dma_start3A_26 = arith.constant 0 : i32
      %dma_start3A_27 = tpu.memref_slice %arg2[%add3A, %dma_start3A, %dma_start3A_26] : memref<32x80x125xi32, #tpu.memory_space<hbm>> -> memref<1x80x125xi32, #tpu.memory_space<hbm>>
      %dma_start3A_28 = tpu.memref_squeeze %dma_start3A_27 : memref<1x80x125xi32, #tpu.memory_space<hbm>> -> memref<80x125xi32, #tpu.memory_space<hbm>>
      %dma_start3A_29 = arith.constant 0 : i32
      %dma_start3A_30 = arith.constant 0 : i32
      %dma_start3A_31 = tpu.memref_slice %arg2[%add3A, %dma_start3A_29, %dma_start3A_30] : memref<32x80x125xi32, #tpu.memory_space<hbm>> -> memref<1x80x125xi32, #tpu.memory_space<hbm>>
      %dma_start3A_32 = tpu.memref_squeeze %dma_start3A_31 : memref<1x80x125xi32, #tpu.memory_space<hbm>> -> memref<80x125xi32, #tpu.memory_space<hbm>>
      tpu.enqueue_dma source(%dma_start3A_32 : memref<80x125xi32, #tpu.memory_space<hbm>>) target(%arg5 : memref<80x125xi32, #tpu.memory_space<vmem>>) target_semaphore(%run_scoped3A : memref<!tpu.dma_semaphore, #tpu.memory_space<semaphore_mem>>)
      %dma_wait3A = arith.constant 0 : i32
      %dma_wait3A_33 = arith.constant 0 : i32
      %dma_wait3A_34 = tpu.memref_slice %arg2[%add3A, %dma_wait3A, %dma_wait3A_33] : memref<32x80x125xi32, #tpu.memory_space<hbm>> -> memref<1x80x125xi32, #tpu.memory_space<hbm>>
      %dma_wait3A_35 = tpu.memref_squeeze %dma_wait3A_34 : memref<1x80x125xi32, #tpu.memory_space<hbm>> -> memref<80x125xi32, #tpu.memory_space<hbm>>
      %dma_wait3A_36 = arith.constant 0 : i32
      %dma_wait3A_37 = arith.constant 0 : i32
      %dma_wait3A_38 = tpu.memref_slice %arg2[%add3A, %dma_wait3A_36, %dma_wait3A_37] : memref<32x80x125xi32, #tpu.memory_space<hbm>> -> memref<1x80x125xi32, #tpu.memory_space<hbm>>
      %dma_wait3A_39 = tpu.memref_squeeze %dma_wait3A_38 : memref<1x80x125xi32, #tpu.memory_space<hbm>> -> memref<80x125xi32, #tpu.memory_space<hbm>>
      tpu.wait_dma2 semaphore(%run_scoped3A : memref<!tpu.dma_semaphore, #tpu.memory_space<semaphore_mem>>) src(%dma_wait3A_39 : memref<80x125xi32, #tpu.memory_space<hbm>>) dst(%arg5 : memref<80x125xi32, #tpu.memory_space<vmem>>)
      tpu.yield
    }) : () -> ()
    %scan3A = arith.constant 0 : i32
    %scan3A_1 = arith.constant 0 : i32
    %scan3A_2 = arith.constant 8 : i32
    %scan3A_3 = arith.addi %scan3A_1, %scan3A_2 : i32
    %scan3A_4 = arith.constant 1 : i32
    %scan3A_5 = scf.for %scan3A_26 = %scan3A_1 to %scan3A_3 step %scan3A_4 iter_args(%scan3A_27 = %scan3A) -> (i32)  : i32 {
      %broadcast_in_dim3A = arith.constant 0.000000e+00 : f32
      %broadcast_in_dim3A_28 = vector.broadcast %broadcast_in_dim3A : f32 to vector<16xf32>
      %mul3A_29 = arith.constant 16 : i32
      %mul3A_30 = arith.muli %scan3A_26, %mul3A_29 : i32
      %swap3A = arith.index_cast %mul3A_30 : i32 to index
      %swap3A_31 = tpu.vector_load %arg7[%swap3A] {strides = array<i32>} : memref<128xf32, #tpu.memory_space<vmem>>, vector<16xf32>,
      %swap3A_32 = vector.shape_cast %swap3A_31 : vector<16xf32> to vector<16xf32>
      %swap3A_33 = vector.shape_cast %broadcast_in_dim3A_28 : vector<16xf32> to vector<16xf32>
      tpu.vector_store %arg7[%swap3A], %swap3A_33 {strides = array<i32>} : memref<128xf32, #tpu.memory_space<vmem>>, vector<16xf32>,
      %broadcast_in_dim3A_34 = arith.constant 1.000000e+00 : f32
      %broadcast_in_dim3A_35 = vector.broadcast %broadcast_in_dim3A_34 : f32 to vector<16xf32>
      %mul3A_36 = arith.constant 16 : i32
      %mul3A_37 = arith.muli %scan3A_26, %mul3A_36 : i32
      %swap3A_38 = arith.index_cast %mul3A_37 : i32 to index
      %swap3A_39 = tpu.vector_load %arg6[%swap3A_38] {strides = array<i32>} : memref<128xf32, #tpu.memory_space<vmem>>, vector<16xf32>,
      %swap3A_40 = vector.shape_cast %swap3A_39 : vector<16xf32> to vector<16xf32>
      %swap3A_41 = vector.shape_cast %broadcast_in_dim3A_35 : vector<16xf32> to vector<16xf32>
      tpu.vector_store %arg6[%swap3A_38], %swap3A_41 {strides = array<i32>} : memref<128xf32, #tpu.memory_space<vmem>>, vector<16xf32>,
      %scan3A_42 = arith.constant 0 : i32
      scf.yield %scan3A_42 : i32
    }
    %scan3A_6 = arith.constant 8 : i32
    %scan3A_7 = arith.constant 0 : i32
    %scan3A_8 = arith.constant 0 : i32
    %scan3A_9 = arith.constant 5 : i32
    %scan3A_10 = arith.addi %scan3A_8, %scan3A_9 : i32
    %scan3A_11 = arith.constant 1 : i32
    %scan3A_12 = scf.for %scan3A_26 = %scan3A_8 to %scan3A_10 step %scan3A_11 iter_args(%scan3A_27 = %scan3A_7) -> (i32)  : i32 {
      %mul3A_28 = arith.constant 640 : i32
      %mul3A_29 = arith.muli %arg1, %mul3A_28 : i32
      %mul3A_30 = arith.constant 128 : i32
      %mul3A_31 = arith.muli %scan3A_26, %mul3A_30 : i32
      %add3A_32 = arith.addi %mul3A_29, %mul3A_31 : i32
      "tpu.region"() ({
        %run_scoped3A = tpu.sem_alloc : memref<!tpu.dma_semaphore, #tpu.memory_space<semaphore_mem>>
        %dma_start3A = tpu.memref_slice %arg4[%add3A_32] : memref<10240xf32, #tpu.memory_space<vmem_shared>> -> memref<128xf32, #tpu.memory_space<vmem_shared>>
        %dma_start3A_34 = tpu.memref_slice %arg4[%add3A_32] : memref<10240xf32, #tpu.memory_space<vmem_shared>> -> memref<128xf32, #tpu.memory_space<vmem_shared>>
        tpu.enqueue_dma source(%arg7 : memref<128xf32, #tpu.memory_space<vmem>>) target(%dma_start3A_34 : memref<128xf32, #tpu.memory_space<vmem_shared>>) target_semaphore(%run_scoped3A : memref<!tpu.dma_semaphore, #tpu.memory_space<semaphore_mem>>)
        %dma_wait3A = tpu.memref_slice %arg4[%add3A_32] : memref<10240xf32, #tpu.memory_space<vmem_shared>> -> memref<128xf32, #tpu.memory_space<vmem_shared>>
        %dma_wait3A_35 = tpu.memref_slice %arg4[%add3A_32] : memref<10240xf32, #tpu.memory_space<vmem_shared>> -> memref<128xf32, #tpu.memory_space<vmem_shared>>
        tpu.wait_dma2 semaphore(%run_scoped3A : memref<!tpu.dma_semaphore, #tpu.memory_space<semaphore_mem>>) src(%arg7 : memref<128xf32, #tpu.memory_space<vmem>>) dst(%dma_wait3A_35 : memref<128xf32, #tpu.memory_space<vmem_shared>>)
        tpu.yield
      }) : () -> ()
      %scan3A_33 = arith.constant 0 : i32
      scf.yield %scan3A_33 : i32
    }
    %scan3A_13 = arith.constant 5 : i32
    %barrier3A = arith.constant 0 : index
    tpu.barrier barrier_id(%barrier3A)
    %scan3A_14 = arith.constant 0 : i32
    %scan3A_15 = arith.constant 0 : i32
    %scan3A_16 = arith.constant 80 : i32
    %scan3A_17 = arith.addi %scan3A_15, %scan3A_16 : i32
    %scan3A_18 = arith.constant 1 : i32
    %scan3A_19 = scf.for %scan3A_26 = %scan3A_15 to %scan3A_17 step %scan3A_18 iter_args(%scan3A_27 = %scan3A_14) -> (i32)  : i32 {
      "tpu.region"() ({
        %run_scoped3A = tpu.sem_alloc : memref<!tpu.dma_semaphore, #tpu.memory_space<semaphore_mem>>
        %dma_start3A = arith.constant 0 : i32
        %dma_start3A_29 = tpu.memref_slice %arg6[%dma_start3A] : memref<128xf32, #tpu.memory_space<vmem>> -> memref<125xf32, #tpu.memory_space<vmem>>
        %dma_start3A_30 = arith.constant 0 : i32
        %dma_start3A_31 = tpu.memref_slice %arg5[%scan3A_26, %dma_start3A_30] : memref<80x125xi32, #tpu.memory_space<vmem>> -> memref<1x125xi32, #tpu.memory_space<vmem>>
        %dma_start3A_32 = tpu.memref_squeeze %dma_start3A_31 : memref<1x125xi32, #tpu.memory_space<vmem>> -> memref<125xi32, #tpu.memory_space<vmem>>
        %dma_start3A_33 = arith.constant 0 : i32
        %dma_start3A_34 = tpu.memref_slice %arg4[%dma_start3A_33] : memref<10240xf32, #tpu.memory_space<vmem_shared>> -> memref<10240xf32, #tpu.memory_space<vmem_shared>>
        tpu.enqueue_indirect_dma source(%dma_start3A_29 : memref<125xf32, #tpu.memory_space<vmem>>) target(%dma_start3A_34 : memref<10240xf32, #tpu.memory_space<vmem_shared>>) offsets(%dma_start3A_32 : memref<125xi32, #tpu.memory_space<vmem>>) semaphore(%run_scoped3A : memref<!tpu.dma_semaphore, #tpu.memory_space<semaphore_mem>>) {add = true}
        %dma_wait3A = arith.constant 0 : i32
        %dma_wait3A_35 = tpu.memref_slice %arg6[%dma_wait3A] : memref<128xf32, #tpu.memory_space<vmem>> -> memref<125xf32, #tpu.memory_space<vmem>>
        %dma_wait3A_36 = arith.constant 0 : i32
        %dma_wait3A_37 = tpu.memref_slice %arg5[%scan3A_26, %dma_wait3A_36] : memref<80x125xi32, #tpu.memory_space<vmem>> -> memref<1x125xi32, #tpu.memory_space<vmem>>
        %dma_wait3A_38 = tpu.memref_squeeze %dma_wait3A_37 : memref<1x125xi32, #tpu.memory_space<vmem>> -> memref<125xi32, #tpu.memory_space<vmem>>
        %dma_wait3A_39 = arith.constant 0 : i32
        %dma_wait3A_40 = tpu.memref_slice %arg4[%dma_wait3A_39] : memref<10240xf32, #tpu.memory_space<vmem_shared>> -> memref<10240xf32, #tpu.memory_space<vmem_shared>>
        tpu.wait_indirect_dma semaphore(%run_scoped3A : memref<!tpu.dma_semaphore, #tpu.memory_space<semaphore_mem>>) src(%dma_wait3A_35 : memref<125xf32, #tpu.memory_space<vmem>>) dst(%dma_wait3A_40 : memref<10240xf32, #tpu.memory_space<vmem_shared>>)
        tpu.yield
      }) : () -> ()
      %scan3A_28 = arith.constant 0 : i32
      scf.yield %scan3A_28 : i32
    }
    %scan3A_20 = arith.constant 80 : i32
    %barrier3A_21 = arith.constant 0 : index
    tpu.barrier barrier_id(%barrier3A_21)
    %mul3A_22 = arith.constant 640 : i32
    %mul3A_23 = arith.muli %arg1, %mul3A_22 : i32
    %mul3A_24 = arith.constant 640 : i32
    %mul3A_25 = arith.muli %arg1, %mul3A_24 : i32
    "tpu.region"() ({
      %run_scoped3A = tpu.sem_alloc : memref<!tpu.dma_semaphore, #tpu.memory_space<semaphore_mem>>
      %dma_start3A = tpu.memref_slice %arg3[%arg0, %mul3A_25] : memref<2x10240xf32, #tpu.memory_space<hbm>> -> memref<1x640xf32, #tpu.memory_space<hbm>>
      %dma_start3A_26 = tpu.memref_squeeze %dma_start3A : memref<1x640xf32, #tpu.memory_space<hbm>> -> memref<640xf32, #tpu.memory_space<hbm>>
      %dma_start3A_27 = tpu.memref_slice %arg4[%mul3A_23] : memref<10240xf32, #tpu.memory_space<vmem_shared>> -> memref<640xf32, #tpu.memory_space<vmem_shared>>
      tpu.enqueue_dma source(%dma_start3A_27 : memref<640xf32, #tpu.memory_space<vmem_shared>>) target(%dma_start3A_26 : memref<640xf32, #tpu.memory_space<hbm>>) target_semaphore(%run_scoped3A : memref<!tpu.dma_semaphore, #tpu.memory_space<semaphore_mem>>)
      %dma_wait3A = tpu.memref_slice %arg3[%arg0, %mul3A_25] : memref<2x10240xf32, #tpu.memory_space<hbm>> -> memref<1x640xf32, #tpu.memory_space<hbm>>
      %dma_wait3A_28 = tpu.memref_squeeze %dma_wait3A : memref<1x640xf32, #tpu.memory_space<hbm>> -> memref<640xf32, #tpu.memory_space<hbm>>
      %dma_wait3A_29 = tpu.memref_slice %arg4[%mul3A_23] : memref<10240xf32, #tpu.memory_space<vmem_shared>> -> memref<640xf32, #tpu.memory_space<vmem_shared>>
      tpu.wait_dma2 semaphore(%run_scoped3A : memref<!tpu.dma_semaphore, #tpu.memory_space<semaphore_mem>>) src(%dma_wait3A_29 : memref<640xf32, #tpu.memory_space<vmem_shared>>) dst(%dma_wait3A_28 : memref<640xf32, #tpu.memory_space<hbm>>)
      tpu.yield
    }) : () -> ()
    return
  }
}

module attributes {stable_mosaic.version = 14 : i64} {
  func.func @_xs_body(%arg0: i32, %arg1: memref<512x128xf32, #tpu.memory_space<vmem>>, %arg2: memref<2x1x4x128xf32, #tpu.memory_space<vmem>>, %arg3: memref<512x128xf32, #tpu.memory_space<vmem>>) attributes {dimension_semantics = [#tpu.dimension_semantics<arbitrary>], iteration_bounds = array<i64: 20>, scalar_prefetch = 0 : i64, scratch_operands = 0 : i64, tpu.core_type = #tpu.core_type<tc>, window_params = [{transform_indices = @transform_0, window_bounds = array<i64: 512, 128>}, {transform_indices = @transform_1, window_bounds = array<i64: 2, 1, 4, 128>}, {transform_indices = @transform_2, window_bounds = array<i64: 512, 128>}]} {
    %get3A = arith.constant 0 : index
    %get3A_0 = arith.constant 0 : index
    %get3A_1 = arith.constant 0 : index
    %get3A_2 = arith.constant 0 : index
    %get3A_3 = vector.load %arg2[%get3A, %get3A_0, %get3A_1, %get3A_2] : memref<2x1x4x128xf32, #tpu.memory_space<vmem>>, vector<1x1x4x128xf32>
    %get3A_4 = vector.shape_cast %get3A_3 : vector<1x1x4x128xf32> to vector<4x128xf32>
    %get3A_5 = arith.constant 1 : index
    %get3A_6 = arith.constant 0 : index
    %get3A_7 = arith.constant 0 : index
    %get3A_8 = arith.constant 0 : index
    %get3A_9 = vector.load %arg2[%get3A_5, %get3A_6, %get3A_7, %get3A_8] : memref<2x1x4x128xf32, #tpu.memory_space<vmem>>, vector<1x1x4x128xf32>
    %get3A_10 = vector.shape_cast %get3A_9 : vector<1x1x4x128xf32> to vector<4x128xf32>
    %add3A = arith.addf %get3A_4, %get3A_10 : vector<4x128xf32>
    %reshape3A = vector.shape_cast %add3A : vector<4x128xf32> to vector<512xf32>
    %gt3A = arith.constant 0.000000e+00 : f32
    %gt3A_11 = vector.broadcast %gt3A : f32 to vector<512xf32>
    %gt3A_12 = arith.cmpf ogt, %reshape3A, %gt3A_11 : vector<512xf32>
    %max3A = arith.constant 1.000000e+00 : f32
    %max3A_13 = vector.broadcast %max3A : f32 to vector<512xf32>
    %max3A_14 = arith.maximumf %reshape3A, %max3A_13 : vector<512xf32>
    %rsqrt3A = math.rsqrt %max3A_14 : vector<512xf32>
    %jit3A = arith.constant 0.000000e+00 : f32
    %broadcast_in_dim3A = vector.broadcast %jit3A : f32 to vector<512xf32>
    %select_n3A = arith.select %gt3A_12, %rsqrt3A, %broadcast_in_dim3A : vector<512xi1>, vector<512xf32>
    %get3A_15 = arith.constant 0 : index
    %get3A_16 = arith.constant 0 : index
    %get3A_17 = vector.load %arg1[%get3A_15, %get3A_16] : memref<512x128xf32, #tpu.memory_space<vmem>>, vector<512x128xf32>
    %broadcast_in_dim3A_18 = vector.shape_cast %select_n3A : vector<512xf32> to vector<512x1xf32>
    %mul3A = vector.broadcast %broadcast_in_dim3A_18 : vector<512x1xf32> to vector<512x128xf32>
    %mul3A_19 = arith.mulf %get3A_17, %mul3A : vector<512x128xf32>
    %swap3A = arith.constant 0 : index
    %swap3A_20 = arith.constant 0 : index
    %swap3A_21 = vector.load %arg3[%swap3A, %swap3A_20] : memref<512x128xf32, #tpu.memory_space<vmem>>, vector<512x128xf32>
    tpu.vector_store %arg3[%swap3A, %swap3A_20], %mul3A_19 {strides = array<i32>} : memref<512x128xf32, #tpu.memory_space<vmem>>, vector<512x128xf32>,
    return
  }
  func.func @transform_0(%arg0: i32) -> (i32, i32) {
    %c0_i32 = arith.constant 0 : i32
    %c0_i32_0 = arith.constant 0 : i32
    return %arg0, %c0_i32 : i32, i32
  }
  func.func @transform_1(%arg0: i32) -> (i32, i32, i32, i32) {
    %c0_i32 = arith.constant 0 : i32
    %c0_i32_0 = arith.constant 0 : i32
    %c0_i32_1 = arith.constant 0 : i32
    %c0_i32_2 = arith.constant 0 : i32
    return %c0_i32, %arg0, %c0_i32_0, %c0_i32_1 : i32, i32, i32, i32
  }
  func.func @transform_2(%arg0: i32) -> (i32, i32) {
    %c0_i32 = arith.constant 0 : i32
    %c0_i32_0 = arith.constant 0 : i32
    return %arg0, %c0_i32 : i32, i32
  }
}

module attributes {stable_mosaic.version = 14 : i64} {
  func.func @_dense_body(%arg0: i32, %arg1: memref<512x128xf32, #tpu.memory_space<vmem>>, %arg2: memref<2x1x4x128xf32, #tpu.memory_space<vmem>>, %arg3: memref<2x512x128xf32, #tpu.memory_space<vmem>>, %arg4: memref<128x128xf32, #tpu.memory_space<vmem>>, %arg5: memref<1x128xf32, #tpu.memory_space<vmem>>, %arg6: memref<128x128xf32, #tpu.memory_space<vmem>>, %arg7: memref<1x128xf32, #tpu.memory_space<vmem>>, %arg8: memref<512x128xf32, #tpu.memory_space<vmem>>) attributes {dimension_semantics = [#tpu.dimension_semantics<arbitrary>], iteration_bounds = array<i64: 20>, scalar_prefetch = 0 : i64, scratch_operands = 0 : i64, tpu.core_type = #tpu.core_type<tc>, window_params = [{transform_indices = @transform_0, window_bounds = array<i64: 512, 128>}, {transform_indices = @transform_1, window_bounds = array<i64: 2, 1, 4, 128>}, {transform_indices = @transform_2, window_bounds = array<i64: 2, 512, 128>}, {pipeline_mode = #tpu.pipeline_mode<synchronous>, transform_indices = @transform_3, window_bounds = array<i64: 128, 128>}, {pipeline_mode = #tpu.pipeline_mode<synchronous>, transform_indices = @transform_4, window_bounds = array<i64: 1, 128>}, {pipeline_mode = #tpu.pipeline_mode<synchronous>, transform_indices = @transform_5, window_bounds = array<i64: 128, 128>}, {pipeline_mode = #tpu.pipeline_mode<synchronous>, transform_indices = @transform_6, window_bounds = array<i64: 1, 128>}, {transform_indices = @transform_7, window_bounds = array<i64: 512, 128>}]} {
    %get3A = arith.constant 0 : index
    %get3A_0 = arith.constant 0 : index
    %get3A_1 = arith.constant 0 : index
    %get3A_2 = arith.constant 0 : index
    %get3A_3 = vector.load %arg2[%get3A, %get3A_0, %get3A_1, %get3A_2] : memref<2x1x4x128xf32, #tpu.memory_space<vmem>>, vector<1x1x4x128xf32>
    %get3A_4 = vector.shape_cast %get3A_3 : vector<1x1x4x128xf32> to vector<4x128xf32>
    %get3A_5 = arith.constant 1 : index
    %get3A_6 = arith.constant 0 : index
    %get3A_7 = arith.constant 0 : index
    %get3A_8 = arith.constant 0 : index
    %get3A_9 = vector.load %arg2[%get3A_5, %get3A_6, %get3A_7, %get3A_8] : memref<2x1x4x128xf32, #tpu.memory_space<vmem>>, vector<1x1x4x128xf32>
    %get3A_10 = vector.shape_cast %get3A_9 : vector<1x1x4x128xf32> to vector<4x128xf32>
    %add3A = arith.addf %get3A_4, %get3A_10 : vector<4x128xf32>
    %reshape3A = vector.shape_cast %add3A : vector<4x128xf32> to vector<512xf32>
    %gt3A = arith.constant 0.000000e+00 : f32
    %gt3A_11 = vector.broadcast %gt3A : f32 to vector<512xf32>
    %gt3A_12 = arith.cmpf ogt, %reshape3A, %gt3A_11 : vector<512xf32>
    %max3A = arith.constant 1.000000e+00 : f32
    %max3A_13 = vector.broadcast %max3A : f32 to vector<512xf32>
    %max3A_14 = arith.maximumf %reshape3A, %max3A_13 : vector<512xf32>
    %rsqrt3A = math.rsqrt %max3A_14 : vector<512xf32>
    %jit3A = arith.constant 0.000000e+00 : f32
    %broadcast_in_dim3A = vector.broadcast %jit3A : f32 to vector<512xf32>
    %select_n3A = arith.select %gt3A_12, %rsqrt3A, %broadcast_in_dim3A : vector<512xi1>, vector<512xf32>
    %get3A_15 = arith.constant 0 : index
    %get3A_16 = arith.constant 0 : index
    %get3A_17 = arith.constant 0 : index
    %get3A_18 = vector.load %arg3[%get3A_15, %get3A_16, %get3A_17] : memref<2x512x128xf32, #tpu.memory_space<vmem>>, vector<1x512x128xf32>
    %get3A_19 = vector.shape_cast %get3A_18 : vector<1x512x128xf32> to vector<512x128xf32>
    %get3A_20 = arith.constant 1 : index
    %get3A_21 = arith.constant 0 : index
    %get3A_22 = arith.constant 0 : index
    %get3A_23 = vector.load %arg3[%get3A_20, %get3A_21, %get3A_22] : memref<2x512x128xf32, #tpu.memory_space<vmem>>, vector<1x512x128xf32>
    %get3A_24 = vector.shape_cast %get3A_23 : vector<1x512x128xf32> to vector<512x128xf32>
    %add3A_25 = arith.addf %get3A_19, %get3A_24 : vector<512x128xf32>
    %broadcast_in_dim3A_26 = vector.shape_cast %select_n3A : vector<512xf32> to vector<512x1xf32>
    %mul3A = vector.broadcast %broadcast_in_dim3A_26 : vector<512x1xf32> to vector<512x128xf32>
    %mul3A_27 = arith.mulf %add3A_25, %mul3A : vector<512x128xf32>
    %get3A_28 = arith.constant 0 : index
    %get3A_29 = arith.constant 0 : index
    %get3A_30 = vector.load %arg1[%get3A_28, %get3A_29] : memref<512x128xf32, #tpu.memory_space<vmem>>, vector<512x128xf32>
    %get3A_31 = arith.constant 0 : index
    %get3A_32 = arith.constant 0 : index
    %get3A_33 = vector.load %arg4[%get3A_31, %get3A_32] : memref<128x128xf32, #tpu.memory_space<vmem>>, vector<128x128xf32>
    %dot_general3A = arith.constant dense<0.000000e+00> : vector<512x128xf32>
    %dot_general3A_34 = tpu.matmul %mul3A_27, %get3A_33, %dot_general3A {dimension_numbers = #tpu.dot_dimension_numbers<[1], [0], [0], [1], [0, 0, 1, 1], [], []>, transpose_lhs_hint = false} : vector<512x128xf32>, vector<128x128xf32>, vector<512x128xf32> -> vector<512x128xf32>
    %get3A_35 = arith.constant 0 : index
    %get3A_36 = arith.constant 0 : index
    %get3A_37 = vector.load %arg5[%get3A_35, %get3A_36] : memref<1x128xf32, #tpu.memory_space<vmem>>, vector<1x128xf32>
    %add3A_38 = vector.broadcast %get3A_37 : vector<1x128xf32> to vector<512x128xf32>
    %add3A_39 = arith.addf %dot_general3A_34, %add3A_38 : vector<512x128xf32>
    %ge3A = arith.constant 0.000000e+00 : f32
    %ge3A_40 = vector.broadcast %ge3A : f32 to vector<512x128xf32>
    %ge3A_41 = arith.cmpf oge, %add3A_39, %ge3A_40 : vector<512x128xf32>
    %mul3A_42 = arith.constant 2.000000e-01 : f32
    %mul3A_43 = vector.broadcast %mul3A_42 : f32 to vector<512x128xf32>
    %mul3A_44 = arith.mulf %mul3A_43, %add3A_39 : vector<512x128xf32>
    %select_n3A_45 = arith.select %ge3A_41, %add3A_39, %mul3A_44 : vector<512x128xi1>, vector<512x128xf32>
    %mul3A_46 = arith.mulf %get3A_30, %mul3A_27 : vector<512x128xf32>
    %get3A_47 = arith.constant 0 : index
    %get3A_48 = arith.constant 0 : index
    %get3A_49 = vector.load %arg6[%get3A_47, %get3A_48] : memref<128x128xf32, #tpu.memory_space<vmem>>, vector<128x128xf32>
    %dot_general3A_50 = arith.constant dense<0.000000e+00> : vector<512x128xf32>
    %dot_general3A_51 = tpu.matmul %mul3A_46, %get3A_49, %dot_general3A_50 {dimension_numbers = #tpu.dot_dimension_numbers<[1], [0], [0], [1], [0, 0, 1, 1], [], []>, transpose_lhs_hint = false} : vector<512x128xf32>, vector<128x128xf32>, vector<512x128xf32> -> vector<512x128xf32>
    %get3A_52 = arith.constant 0 : index
    %get3A_53 = arith.constant 0 : index
    %get3A_54 = vector.load %arg7[%get3A_52, %get3A_53] : memref<1x128xf32, #tpu.memory_space<vmem>>, vector<1x128xf32>
    %add3A_55 = vector.broadcast %get3A_54 : vector<1x128xf32> to vector<512x128xf32>
    %add3A_56 = arith.addf %dot_general3A_51, %add3A_55 : vector<512x128xf32>
    %ge3A_57 = arith.constant 0.000000e+00 : f32
    %ge3A_58 = vector.broadcast %ge3A_57 : f32 to vector<512x128xf32>
    %ge3A_59 = arith.cmpf oge, %add3A_56, %ge3A_58 : vector<512x128xf32>
    %mul3A_60 = arith.constant 2.000000e-01 : f32
    %mul3A_61 = vector.broadcast %mul3A_60 : f32 to vector<512x128xf32>
    %mul3A_62 = arith.mulf %mul3A_61, %add3A_56 : vector<512x128xf32>
    %select_n3A_63 = arith.select %ge3A_59, %add3A_56, %mul3A_62 : vector<512x128xi1>, vector<512x128xf32>
    %add3A_64 = arith.addf %select_n3A_45, %select_n3A_63 : vector<512x128xf32>
    %mul3A_65 = arith.mulf %add3A_64, %add3A_64 : vector<512x128xf32>
    %reduce_sum3A = arith.constant dense<0.000000e+00> : vector<512xf32>
    %reduce_sum3A_66 = vector.multi_reduction <add>, %mul3A_65, %reduce_sum3A [1] : vector<512x128xf32> to vector<512xf32>
    %broadcast_in_dim3A_67 = vector.shape_cast %reduce_sum3A_66 : vector<512xf32> to vector<512x1xf32>
    %max3A_68 = arith.constant 9.99999996E-13 : f32
    %max3A_69 = vector.broadcast %max3A_68 : f32 to vector<512x1xf32>
    %max3A_70 = arith.maximumf %broadcast_in_dim3A_67, %max3A_69 : vector<512x1xf32>
    %rsqrt3A_71 = math.rsqrt %max3A_70 : vector<512x1xf32>
    %mul3A_72 = vector.broadcast %rsqrt3A_71 : vector<512x1xf32> to vector<512x128xf32>
    %mul3A_73 = arith.mulf %add3A_64, %mul3A_72 : vector<512x128xf32>
    %swap3A = arith.constant 0 : index
    %swap3A_74 = arith.constant 0 : index
    %swap3A_75 = vector.load %arg8[%swap3A, %swap3A_74] : memref<512x128xf32, #tpu.memory_space<vmem>>, vector<512x128xf32>
    tpu.vector_store %arg8[%swap3A, %swap3A_74], %mul3A_73 {strides = array<i32>} : memref<512x128xf32, #tpu.memory_space<vmem>>, vector<512x128xf32>,
    return
  }
  func.func @transform_0(%arg0: i32) -> (i32, i32) {
    %c0_i32 = arith.constant 0 : i32
    %c0_i32_0 = arith.constant 0 : i32
    return %arg0, %c0_i32 : i32, i32
  }
  func.func @transform_1(%arg0: i32) -> (i32, i32, i32, i32) {
    %c0_i32 = arith.constant 0 : i32
    %c0_i32_0 = arith.constant 0 : i32
    %c0_i32_1 = arith.constant 0 : i32
    %c0_i32_2 = arith.constant 0 : i32
    return %c0_i32, %arg0, %c0_i32_0, %c0_i32_1 : i32, i32, i32, i32
  }
  func.func @transform_2(%arg0: i32) -> (i32, i32, i32) {
    %c0_i32 = arith.constant 0 : i32
    %c0_i32_0 = arith.constant 0 : i32
    %c0_i32_1 = arith.constant 0 : i32
    return %c0_i32, %arg0, %c0_i32_0 : i32, i32, i32
  }
  func.func @transform_3(%arg0: i32) -> (i32, i32) {
    %c0_i32 = arith.constant 0 : i32
    %c0_i32_0 = arith.constant 0 : i32
    %c0_i32_1 = arith.constant 0 : i32
    return %c0_i32, %c0_i32_0 : i32, i32
  }
  func.func @transform_4(%arg0: i32) -> (i32, i32) {
    %c0_i32 = arith.constant 0 : i32
    %c0_i32_0 = arith.constant 0 : i32
    %c0_i32_1 = arith.constant 0 : i32
    return %c0_i32, %c0_i32_0 : i32, i32
  }
  func.func @transform_5(%arg0: i32) -> (i32, i32) {
    %c0_i32 = arith.constant 0 : i32
    %c0_i32_0 = arith.constant 0 : i32
    %c0_i32_1 = arith.constant 0 : i32
    return %c0_i32, %c0_i32_0 : i32, i32
  }
  func.func @transform_6(%arg0: i32) -> (i32, i32) {
    %c0_i32 = arith.constant 0 : i32
    %c0_i32_0 = arith.constant 0 : i32
    %c0_i32_1 = arith.constant 0 : i32
    return %c0_i32, %c0_i32_0 : i32, i32
  }
  func.func @transform_7(%arg0: i32) -> (i32, i32) {
    %c0_i32 = arith.constant 0 : i32
    %c0_i32_0 = arith.constant 0 : i32
    return %arg0, %c0_i32 : i32, i32
  }
}

</mosaic_0001>

<sc_bundles>
// kernel: kernel.6.cloned.1.call-start
scs
__scs_entry_jumppad:
0x0: {  	(pc) =	sbr.rel $0x88, $3  }
0x1: {  	(tag) =	ssettag $0x0;
	lr =	simm.s32 $0x1  }
0x2: {  	[smem:$0x3F9B] =	sst lr;
	_ =	strace $0xD0000000  }
0x3: {  	_ = 	snop  }
0x4: {  	_ = 	snop  }
0x5: {  	_ = 	snop  }
0x6: {  	_ = 	snop  }
0x7: {  	_ = 	snop  }
__scs_overlays_trampoline_lowered:
0x8: {  	[smem:$0x3FAA] =	sst s0  }
0x9: {  	[smem:$0x3FAB] =	sst s1  }
0xa: {  	[smem:$0x3FAC] =	sst s2  }
0xb: {  	[smem:$0x3FAD] =	sst s3  }
0xc: {  	[smem:$0x3FAE] =	sst s4  }
0xd: {  	[smem:$0x3FAF] =	sst s5  }
0xe: {  	[smem:$0x3FB0] =	sst s6  }
0xf: {  	[smem:$0x3FB1] =	sst s7  }
0x10: {  	[smem:$0x3FB2] =	sst s8  }
0x11: {  	[smem:$0x3FB3] =	sst s9;
	s0 =	simm.s32 @!p0 $0x0  }
0x12: {  	s1 =	sld [smem:$0x3F99];
	s0 =	simm.s32 @p0 $0x1  }
0x13: {  	[smem:$0x3FB4] =	sst s0;
	s0 =	simm.s32 @!p1 $0x0  }
0x14: {  	s2 =	sld [smem:$0x3F98];
	s0 =	simm.s32 @p1 $0x1  }
0x15: {  	[smem:$0x3FB5] =	sst s0;
	s0 =	simm.s32 @!p2 $0x0  }
0x16: {  	s3 =	sld [smem:$0x3FDB];
	s0 =	simm.s32 @p2 $0x1  }
0x17: {  	s4 =	simm.s32 $0x1BF5;
	[smem:$0x3FB7] =	sst s0  }
0x18: {  	s0 =	sld [smem:$0x3F9A];
	_ =	swait.ge [sflag:s4], $0x0  }
0x19: {  	s7 =	sld [smem:$0x3F9B]  }
0x1a: {  	s8 =	sadd.s32 $0xFFFFE003, lr  }
0x1b: {  	s9 =	sadd.s32 $0xFFFFFEF7, lr;
	s5 =	simm.s32 $0xFFFFFFFF;
	p2 =	slt.u32 s8, $0xFFFFF086  }
0x1c: {  	p1 =	slt.u32 s9, $0xF7A;
	s5 =	simm.s32 @!p2 $0x0  }
0x1d: {  	s5 =	simm.s32 @p1 $0x1;
	p0 =	seq.s32 s7, s2  }
0x1e: {  	s7 =	smul.u32 @!p0 $0xF7A, s2;
	p2 =	seq.s32 @!p0 s5, $0x0  }
0x1f: {  	s9 =	smul.u32 $0xF7A, s1;
	s8 =	simm.s32 @!p0 $0x1BF5;
	p2 =	por !p2, p0  }
0x20: {  	[sflag:s8] =	ssyncset.s32 @!p0 $0xFFFFF086;
	s6 =	sadd.s32 @!p0 s3, s7;
	s7 =	simm.s32 @!p0 $0x108  }
0x21: {  	s3 =	sadd.s32 s3, s9;
	s6 =	sadd.s32 @!p0 $0x88, s6;
	s7 =	simm.s32 @p2 $0x1082  }
0x22: {  	[simem:s7], [sflag:s8] =	dma.local @!p0 [hbm:s6], $0xF7A  }
0x23: {  	s9 =	sor.u32 $0xD0000000, s2;
	s6 =	simm.s32 $0x108;
	_ =	swait.ge @!p0 [sflag:s8], $0x0  }
0x24: {  	s3 =	sadd.s32 $0x88, s3;
	s6 =	simm.s32 @!p1 $0x1082;
	[sflag:s4] =	ssyncset.s32 $0xFFFFF086  }
0x25: {  	[simem:s6], [sflag:s4] =	dma.local [hbm:s3], $0xF7A  }
0x26: {  	[smem:$0x3F9B] =	sst s1;
	(tag) =	ssettag s2;
	_ =	strace s9  }
0x27: {  	s1 =	sld [smem:$0x3FAB]  }
0x28: {  	s2 =	sld [smem:$0x3FAC]  }
0x29: {  	s4 =	sld [smem:$0x3FAE]  }
0x2a: {  	p0 =	seq.s32 s5, $0x0;
	s5 =	sld [smem:$0x3FAF]  }
0x2b: {  	s6 =	sld [smem:$0x3FB0]  }
0x2c: {  	s7 =	sld [smem:$0x3FB1]  }
0x2d: {  	s3 =	simm.s32 $0x108;
	s8 =	sld [smem:$0x3FB2]  }
0x2e: {  	s3 =	simm.s32 @!p0 $0x1082;
	s9 =	sld [smem:$0x3FB3]  }
0x2f: {  	lr =	sadd.s32 s0, s3;
	s0 =	sld [smem:$0x3FAA]  }
0x30: {  	s3 =	sld [smem:$0x3FAD]  }
0x31: {  	[smem:$0x3FB6] =	sst s10  }
0x32: {  	s10 =	sld [smem:$0x3FB4];
	_ =	sdelay $0x3  }
0x33: {  	p0 =	seq.s32 s10, $0x1;
	s10 =	sld [smem:$0x3FB6];
	_ =	sdelay $0x3  }
0x34: {  	[smem:$0x3FB6] =	sst s10  }
0x35: {  	s10 =	sld [smem:$0x3FB5];
	_ =	sdelay $0x3  }
0x36: {  	p1 =	seq.s32 s10, $0x1;
	s10 =	sld [smem:$0x3FB6];
	_ =	sdelay $0x3  }
0x37: {  	[smem:$0x3FB6] =	sst s10  }
0x38: {  	s10 =	sld [smem:$0x3FB7]  }
0x39: {  	_ = 	snop;
	(pc) =	sbr.ind lr, $3  }
0x3a: {  	_ = 	snop  }
0x3b: {  	_ = 	snop  }
0x3c: {  	p2 =	seq.s32 s10, $0x1;
	s10 =	sld [smem:$0x3FB6]  }
0x3d: {  	_ =	shalt  }
0x3e: {  	_ =	shalt  }
0x3f: {  	_ =	shalt  }
0x40: {  	_ =	shalt  }
0x41: {  	_ =	shalt  }
0x42: {  	_ =	shalt  }
0x43: {  	_ =	shalt  }
0x44: {  	_ =	shalt  }
0x45: {  	_ =	shalt  }
0x46: {  	_ =	shalt  }
0x47: {  	_ =	shalt  }
0x48: {  	_ =	shalt  }
0x49: {  	_ =	shalt  }
0x4a: {  	_ =	shalt  }
0x4b: {  	_ =	shalt  }
0x4c: {  	_ =	shalt  }
0x4d: {  	_ =	shalt  }
0x4e: {  	_ =	shalt  }
0x4f: {  	_ =	shalt  }
0x50: {  	_ =	shalt  }
0x51: {  	_ =	shalt  }
0x52: {  	_ =	shalt  }
0x53: {  	_ =	shalt  }
0x54: {  	_ =	shalt  }
0x55: {  	_ =	shalt  }
0x56: {  	_ =	shalt  }
0x57: {  	_ =	shalt  }
0x58: {  	_ =	shalt  }
0x59: {  	_ =	shalt  }
0x5a: {  	_ =	shalt  }
0x5b: {  	_ =	shalt  }
0x5c: {  	_ =	shalt  }
0x5d: {  	_ =	shalt  }
0x5e: {  	_ =	shalt  }
0x5f: {  	_ =	shalt  }
0x60: {  	_ =	shalt  }
0x61: {  	_ =	shalt  }
0x62: {  	_ =	shalt  }
0x63: {  	_ =	shalt  }
0x64: {  	_ =	shalt  }
0x65: {  	_ =	shalt  }
0x66: {  	_ =	shalt  }
0x67: {  	_ =	shalt  }
0x68: {  	_ =	shalt  }
0x69: {  	_ =	shalt  }
0x6a: {  	_ =	shalt  }
0x6b: {  	_ =	shalt  }
0x6c: {  	_ =	shalt  }
0x6d: {  	_ =	shalt  }
0x6e: {  	_ =	shalt  }
0x6f: {  	_ =	shalt  }
0x70: {  	_ =	shalt  }
0x71: {  	_ =	shalt  }
0x72: {  	_ =	shalt  }
0x73: {  	_ =	shalt  }
0x74: {  	_ =	shalt  }
0x75: {  	_ =	shalt  }
0x76: {  	_ =	shalt  }
0x77: {  	_ =	shalt  }
0x78: {  	_ =	shalt  }
0x79: {  	_ =	shalt  }
0x7a: {  	_ =	shalt  }
0x7b: {  	_ =	shalt  }
0x7c: {  	_ =	shalt  }
0x7d: {  	_ =	shalt  }
0x7e: {  	_ =	shalt  }
0x7f: {  	_ =	shalt  }
0x80: {  	_ =	shalt  }
0x81: {  	_ =	shalt  }
0x82: {  	_ =	shalt  }
0x83: {  	_ =	shalt  }
0x84: {  	_ =	shalt  }
0x85: {  	_ =	shalt  }
0x86: {  	_ =	shalt  }
0x87: {  	_ =	shalt  }
.Lfunc_end0:
.L_simem_size_0:
called_computation_lowered:
.L_overlay_start_0:
0x88: {  	s2 =	sld [smem:$0x3FD9]  }
0x89: {  	s3 =	sld [smem:$0x3FFE];
	_ =	sdelay $0x1  }
0x8a: {  	s1 =	srdreg.scid  }
0x8b: {  	s0 =	sand.u32 $0x1, s1  }
0x8c: {  	s16 =	sshll.u32 s0, $0xA;
	s2 =	sadd.s32 s3, s2  }
0x8d: {  	s2 =	sadd.s32 s2, s16  }
0x8e: {  	[smem:$0x3FC2] =	sst s2  }
0x8f: {  	_ = 	snop  }
0x90: {  	(tm) =	ssettm $0x1  }
0x91: {  	s17 =	sld [smem:$0x3FFB];
	_ =	sdelay $0x3  }
0x92: {  	_ =	strace s17  }
0x93: {  	s2 =	sld [smem:$0x3FFC];
	_ =	sdelay $0x3  }
0x94: {  	_ =	strace s2  }
0x95: {  	s2 =	sld [smem:$0x3FFD];
	_ =	sdelay $0x3  }
0x96: {  	_ =	strace s2  }
0x97: {  	_ =	strace $0x8FFFFFFF  }
0x98: {  	s18 =	sld [smem:$0x3FDB];
	_ =	sdelay $0x1  }
0x99: {  	s19 =	simm.s32 $_scs_section_size  }
0x9a: {  	s4 =	simm.s32 $_size__tile_overlayer_lowered;
	s5 =	simm.s32 $_tile_overlayer_lowered  }
0x9b: {  	s22 =	simm.s32 $0x1BFF;
	s21 =	sshll.u32 s5, $0x1;
	s2 =	sadd.s32 s19, s18  }
0x9c: {  	s6 =	simm.s32 $0x0;
	s20 =	sshll.u32 s4, $0x1;
	s4 =	sadd.s32 s21, s2  }
0x9d: {  	[timem:s6], [sflag:s22] =	dma.local [hbm:s4], s20  }
0x9e: {  	_ =	swait.ge [sflag:s22], s20  }
0x9f: {  	s3 =	ssub.s32 $0x0, s20;
	[sflag:s22] =	ssyncset.done $0x0  }
0xa0: {  	[sflag:s22] =	ssyncadd.s32 s3;
	_ =	sdelay $0x1  }
0xa1: {  	s23 =	simm.s32 $0x1B8B  }
0xa2: {  	_ =	swait.ge [sflag:s23], $0x1  }
0xa3: {  	[sflag:s23] =	ssyncset.done $0x0  }
0xa4: {  	s25 =	simm.s32 $0x1B8E;
	s24 =	sld [smem:$0x3FFE];
	[sflag:s23] =	ssyncadd.s32 $0xFFFFFFFF  }
0xa5: {  	s26 =	simm.s32 $execute0_lowered;
	[smem:$0x3FD2] =	sst s25  }
0xa6: {  	s4 =	sshll.u32 s26, $0x1;
	_ =	strace $0x80000046;
	[dreg:$0x1] =	wrdreg $0xFFFFFFFF  }
0xa7: {  	s28 =	simm.s32 $_size_execute0_lowered;
	s2 =	sadd.s32 s2, s4;
	[dreg:$0x0] =	wrdreg $0x0  }
0xa8: {  	s4 =	sshll.u32 s28, $0x1;
	[dreg:$0x2] =	wrdreg s2  }
0xa9: {  	[dreg:$0x3] =	wrdreg s4  }
0xaa: {  	[dreg:$0x4] =	wrdreg $0xC0  }
0xab: {  	_ =	task [dreg:s6], $0x5FFFF  }
0xac: {  	[dreg:$0x1] =	wrdreg $0xFFFFFFFF  }
0xad: {  	[dreg:$0x0] =	wrdreg $0x60  }
0xae: {  	[dreg:$0x2] =	wrdreg s24  }
0xaf: {  	[dreg:$0x3] =	wrdreg $0x0  }
0xb0: {  	[dreg:$0x4] =	wrdreg $0x9  }
0xb1: {  	_ =	task.clear_ibuf [dreg:s6], $0x5FFFF;
	_ =	strace $0x90000046  }
0xb2: {  	s29 =	simm.s32 $0x9;
	_ =	strace $0x80000048  }
0xb3: {  	_ =	swait.ge [sflag:s29], $0x1  }
0xb4: {  	[sflag:s29] =	ssyncadd.s32 $0xFFFFFFFF  }
0xb5: {  	_ =	strace $0x90000048  }
0xb6: {  	_ =	sfence  }
0xb7: {  	s30 =	sld [smem:$0x0];
	_ =	sdelay $0x2  }
0xb8: {  	s31 =	sshll.u32 s1, $0xD;
	s1 =	sshrl.u32 s1, $0x2  }
0xb9: {  	s3 =	sand.u32 $0x4000, s31;
	s1 =	sadd.s32 s1, s30  }
0xba: {  	s0 =	sor.u32 s3, s0;
	s1 =	sshll.u32 s1, $0x11  }
0xbb: {  	s0 =	sor.u32 s1, s0  }
0xbc: {  	s0 =	sadd.s32 $0x8F2B, s0  }
0xbd: {  	[sflag:s0] =	ssyncadd.remote.s32 $0x1  }
0xbe: {  	_ =	sfence.sel $0xFFFF  }
0xbf: {  	[dreg:$0x0] =	wrdreg $0xFFFFFFFF;
	(pc) =	sbr.abs _section_cstart, $3  }
0xc0: {  	[dreg:$0x1] =	wrdreg $0xFFFFFFFF  }
0xc1: {  	_ =	task.clear_ibuf [dreg:s6], $0x2FFFF;
	_ =	strace $0x9FFFFFFF  }
0xc2: {  	(tm) =	ssettm $0x7FFFFFFF  }
0xc3: {  	_ =	shalt  }
tec
execute0_lowered:
.L_overlay_start_1:
0x0: {  	(tag) =	ssettag $0x1  }
0x1: {  	s4 =	rddreg [dreg:$0x0]  }
0x2: {  	s2 =	rddreg [dreg:$0x1];
	s3 =	srdreg.scid  }
0x3: {  	s0 =	rddreg [dreg:$0x2];
	s1 =	stileid.u32;
	s12 =	simm.s32 $0x280  }
0x4: {  	s13 =	simm.s32 $0x1;
	s14 =	simm.s32 $0x2B00;
	s15 =	simm.s32 $0x7D  }
0x5: {  	s16 =	simm.s32 $0x2A80;
	s19 =	simm.s32 $0x20;
	s20 =	simm.s32 $0x10  }
0x6: {  	s21 =	simm.s32 $0x0;
	s5 =	sand.u32 $0x1, s3;
	s7 =	smul.u32 $0x500, s1  }
0x7: {  	s3 =	simm.s32 $0x0;
	s29 =	smul.u32 $0xA00, s1;
	s17 =	sshll.u32 s1, $0x6  }
0x8: {  	s6 =	sshll.u32 s5, $0x4;
	[smem:$0x7FF] =	sst s3;
	s8 =	sshll.u32 s5, $0x7  }
0x9: {  	s5 =	ssub.s32 $0x2, s5;
	s17 =	sor.u32 $0x1C01, s17;
	s6 =	sor.u32 s1, s6  }
0xa: {  	_ =	strace $0x80000047;
	s7 =	sor.u32 s8, s7;
	s6 =	smul.u32 $0x500, s6  }
0xb: {  	s30 =	sshrl.u32 s5, $0x1;
	s31 =	sshrl.u32 s29, $0x2;
	s7 =	sshrl.u32 s7, $0x3  }
0xc: {  	s9 =	ssub.s32 s5, s30;
	s7 =	sadd.s32 s7, s4;
	s6 =	sadd.s32 s6, s4  }
0xd: {  	s5 =	sadd.s32 $0x15200, s7;
	s4 =	sadd.s32 $0xB200, s6;
	s6 =	sadd.s32 s31, s2  }
0xe: {  	s7 =	smax.u32 s9, $0x1;
	s8 =	sadd.s32 $0x80, s6;
	s9 =	sadd.s32 $0x100, s6  }
0xf: {  	v0 =	vimm.f32 $0.0e+00;
	v1 =	vimm.f32 $1.000000000e+00;
	s10 =	sadd.s32 $0x180, s6;
	s11 =	sadd.s32 $0x200, s6;
	s18 =	sshrl.u32 s6, $0x3  }
.LBB2_1:
0x10: {  	[tilespmem:s12], [sflag:$0x1] =	stream.linear.gather [hbm4b:s4+s3], $0x2800, $0x38;
	[tilespmem:$0x2B80] =	vst v63  }
0x11: {  	_ =	swait.ge [sflag:s13], $0x2800  }
0x12: {  	[sflag:s13] =	ssyncset.done $0x0  }
0x13: {  	[sflag:s13] =	ssyncadd.s32 $0xFFFFD800  }
0x14: {  	[tilespmem:$0x2B00] =	vst v0  }
0x15: {  	[tilespmem:$0x2A80] =	vst v1  }
0x16: {  	[tilespmem:$0x2B10] =	vst v0  }
0x17: {  	[tilespmem:$0x2A90] =	vst v1  }
0x18: {  	[tilespmem:$0x2B20] =	vst v0  }
0x19: {  	[tilespmem:$0x2AA0] =	vst v1  }
0x1a: {  	[tilespmem:$0x2B30] =	vst v0  }
0x1b: {  	[tilespmem:$0x2AB0] =	vst v1  }
0x1c: {  	[tilespmem:$0x2B40] =	vst v0  }
0x1d: {  	[tilespmem:$0x2AC0] =	vst v1  }
0x1e: {  	[tilespmem:$0x2B50] =	vst v0  }
0x1f: {  	[tilespmem:$0x2AD0] =	vst v1  }
0x20: {  	[tilespmem:$0x2B60] =	vst v0  }
0x21: {  	[tilespmem:$0x2AE0] =	vst v1  }
0x22: {  	[tilespmem:$0x2B70] =	vst v0  }
0x23: {  	[tilespmem:$0x2AF0] =	vst v1  }
0x24: {  	[spmem:s6] =	stream.linear.scatter [tilespmem:s14], [sflag:$0x1], $0x80, $0x38;
	[tilespmem:$0x2B80] =	vst v63  }
0x25: {  	_ =	swait.ge [sflag:s13], $0x80  }
0x26: {  	[sflag:s13] =	ssyncset.done $0x0  }
0x27: {  	[sflag:s13] =	ssyncadd.s32 $0xFFFFFF80  }
0x28: {  	[spmem:s8] =	stream.linear.scatter [tilespmem:s14], [sflag:$0x1], $0x80, $0x38;
	[tilespmem:$0x2B80] =	vst v63  }
0x29: {  	_ =	swait.ge [sflag:s13], $0x80  }
0x2a: {  	[sflag:s13] =	ssyncset.done $0x0  }
0x2b: {  	[sflag:s13] =	ssyncadd.s32 $0xFFFFFF80  }
0x2c: {  	[spmem:s9] =	stream.linear.scatter [tilespmem:s14], [sflag:$0x1], $0x80, $0x38;
	[tilespmem:$0x2B80] =	vst v63  }
0x2d: {  	_ =	swait.ge [sflag:s13], $0x80  }
0x2e: {  	[sflag:s13] =	ssyncset.done $0x0  }
0x2f: {  	[sflag:s13] =	ssyncadd.s32 $0xFFFFFF80  }
0x30: {  	[spmem:s10] =	stream.linear.scatter [tilespmem:s14], [sflag:$0x1], $0x80, $0x38;
	[tilespmem:$0x2B80] =	vst v63  }
0x31: {  	_ =	swait.ge [sflag:s13], $0x80  }
0x32: {  	[sflag:s13] =	ssyncset.done $0x0  }
0x33: {  	[sflag:s13] =	ssyncadd.s32 $0xFFFFFF80  }
0x34: {  	[spmem:s11] =	stream.linear.scatter [tilespmem:s14], [sflag:$0x1], $0x80, $0x38;
	[tilespmem:$0x2B80] =	vst v63  }
0x35: {  	_ =	swait.ge [sflag:s13], $0x80  }
0x36: {  	[sflag:s13] =	ssyncset.done $0x0  }
0x37: {  	[sflag:s13] =	ssyncadd.s32 $0xFFFFFF80  }
0x38: {  	s22 =	simm.s32 $0x280;
	[bflag:$0x0] =	sbarrier.arrive $0xFFFF  }
0x39: {  	[spmem:s2] =	stream.indirect.scatter.add.f32 [tilespmem:s16], [sflag:$0x1], $0x1, s22, s15, $0xb8;
	[tilespmem:$0x2B80] =	vst v63  }
0x3a: {  	s22 =	simm.s32 $0x200;
	_ =	swait.ge [sflag:s13], $0x7D  }
.LBB2_2:
0x3b: {  	s23 =	sshra.s32 s22, $0x2;
	[sflag:s13] =	ssyncset.done $0x0;
	p0 =	sne.s32 s22, $0x9E00  }
.Ltmp0:
0x3c: {  	s23 =	sadd.s32 $0x280, s23;
	[sflag:s13] =	ssyncadd.s32 $0xFFFFFF83;
	(pc) =	sbr.rel @p0 .LBB2_2-.Ltmp0, $3  }
0x3d: {  	[spmem:s2] =	stream.indirect.scatter.add.f32 [tilespmem:s16], [sflag:$0x1], $0x1, s23, s15, $0xb8;
	[tilespmem:$0x2B80] =	vst v63  }
0x3e: {  	s22 =	sadd.s32 $0x200, s22;
	_ =	sdelay $0x1  }
0x3f: {  	_ =	swait.ge [sflag:s13], $0x7D  }
0x40: {  	[sflag:s13] =	ssyncset.done $0x0;
	s21 =	sadd.s32 $0x1, s21  }
0x41: {  	[sflag:s13] =	ssyncadd.s32 $0xFFFFFF83;
	p0 =	sne.s32 s21, s7  }
.Ltmp1:
0x42: {  	[bflag:$0x0] =	sbarrier.arrive $0xFFFF;
	(pc) =	sbr.rel @p0 .LBB2_1-.Ltmp1, $4  }
0x43: {  	[hbm:s5@s19], [sflag:s17] =	dma.strided [spmem:s18@s20], $0x50, s13, $0x10   }
0x44: {  	_ =	swait.ge [sflag:s13], $0x50  }
0x45: {  	[sflag:s13] =	ssyncset.done $0x0  }
0x46: {  	[sflag:s13] =	ssyncadd.s32 $0xFFFFFFB0  }
0x47: {  	_ =	sfence.sel $0x180000  }
0x48: {  	[bflag:$0x0] =	sbarrier.arrive $0xFFFF  }
0x49: {  	p0 =	sne.s32 s1, $0x0;
	_ =	strace $0x90000047  }
0x4a: {  	s0 =	sadd.s32 @!p0 $0x100000, s0;
	[bflag:$0x2] =	sbarrier.arrive $0xFFFF  }
0x4b: {  	[sflag:s0] =	ssyncadd.tile.s32 @!p0 $0x1;
	_ =	shalt  }
.Lfunc_end2:
_tile_overlayer_lowered:
.L_overlay_start_2:
0x4c: {  	(tag) =	ssettag $0x2  }
0x4d: {  	s0 =	rddreg [dreg:$0x0];
	s2 =	stileid.u32  }
0x4e: {  	s1 =	rddreg [dreg:$0x1];
	p0 =	sne.s32 s2, $0x0  }
0x4f: {  	s3 =	rddreg [dreg:$0x2];
	[bflag:$0x3] =	sbarrier.arrive $0xFFFF;
	s2 =	simm.s32 @!p0 $0x1C01  }
0x50: {  	[timem:s3], [sflag:s2] =	dma.local @!p0 [hbm:s0], s1  }
0x51: {  	s0 =	simm.s32 @!p0 $0x1  }
0x52: {  	_ =	swait.ge @!p0 [sflag:s0], s1  }
0x53: {  	s1 =	ssub.s32 @!p0 $0x0, s1;
	[sflag:s0] =	ssyncset.done @!p0 $0x0  }
0x54: {  	[sflag:s0] =	ssyncadd.s32 @!p0 s1  }
0x55: {  	[bflag:$0x3] =	sbarrier.arrive $0xFFFF  }
0x56: {  	_ =	shalt  }

// kernel: kernel.9.cloned.1.call-start
scs
__scs_entry_jumppad:
0x0: {  	(pc) =	sbr.rel $0x88, $3  }
0x1: {  	(tag) =	ssettag $0x0;
	lr =	simm.s32 $0x1  }
0x2: {  	[smem:$0x3F9B] =	sst lr;
	_ =	strace $0xD0000000  }
0x3: {  	_ = 	snop  }
0x4: {  	_ = 	snop  }
0x5: {  	_ = 	snop  }
0x6: {  	_ = 	snop  }
0x7: {  	_ = 	snop  }
__scs_overlays_trampoline_lowered:
0x8: {  	[smem:$0x3FAA] =	sst s0  }
0x9: {  	[smem:$0x3FAB] =	sst s1  }
0xa: {  	[smem:$0x3FAC] =	sst s2  }
0xb: {  	[smem:$0x3FAD] =	sst s3  }
0xc: {  	[smem:$0x3FAE] =	sst s4  }
0xd: {  	[smem:$0x3FAF] =	sst s5  }
0xe: {  	[smem:$0x3FB0] =	sst s6  }
0xf: {  	[smem:$0x3FB1] =	sst s7  }
0x10: {  	[smem:$0x3FB2] =	sst s8  }
0x11: {  	[smem:$0x3FB3] =	sst s9;
	s0 =	simm.s32 @!p0 $0x0  }
0x12: {  	s1 =	sld [smem:$0x3F99];
	s0 =	simm.s32 @p0 $0x1  }
0x13: {  	[smem:$0x3FB4] =	sst s0;
	s0 =	simm.s32 @!p1 $0x0  }
0x14: {  	s2 =	sld [smem:$0x3F98];
	s0 =	simm.s32 @p1 $0x1  }
0x15: {  	[smem:$0x3FB5] =	sst s0;
	s0 =	simm.s32 @!p2 $0x0  }
0x16: {  	s3 =	sld [smem:$0x3FDB];
	s0 =	simm.s32 @p2 $0x1  }
0x17: {  	s4 =	simm.s32 $0x1BF5;
	[smem:$0x3FB7] =	sst s0  }
0x18: {  	s0 =	sld [smem:$0x3F9A];
	_ =	swait.ge [sflag:s4], $0x0  }
0x19: {  	s7 =	sld [smem:$0x3F9B]  }
0x1a: {  	s8 =	sadd.s32 $0xFFFFE003, lr  }
0x1b: {  	s9 =	sadd.s32 $0xFFFFFEF7, lr;
	s5 =	simm.s32 $0xFFFFFFFF;
	p2 =	slt.u32 s8, $0xFFFFF086  }
0x1c: {  	p1 =	slt.u32 s9, $0xF7A;
	s5 =	simm.s32 @!p2 $0x0  }
0x1d: {  	s5 =	simm.s32 @p1 $0x1;
	p0 =	seq.s32 s7, s2  }
0x1e: {  	s7 =	smul.u32 @!p0 $0xF7A, s2;
	p2 =	seq.s32 @!p0 s5, $0x0  }
0x1f: {  	s9 =	smul.u32 $0xF7A, s1;
	s8 =	simm.s32 @!p0 $0x1BF5;
	p2 =	por !p2, p0  }
0x20: {  	[sflag:s8] =	ssyncset.s32 @!p0 $0xFFFFF086;
	s6 =	sadd.s32 @!p0 s3, s7;
	s7 =	simm.s32 @!p0 $0x108  }
0x21: {  	s3 =	sadd.s32 s3, s9;
	s6 =	sadd.s32 @!p0 $0x88, s6;
	s7 =	simm.s32 @p2 $0x1082  }
0x22: {  	[simem:s7], [sflag:s8] =	dma.local @!p0 [hbm:s6], $0xF7A  }
0x23: {  	s9 =	sor.u32 $0xD0000000, s2;
	s6 =	simm.s32 $0x108;
	_ =	swait.ge @!p0 [sflag:s8], $0x0  }
0x24: {  	s3 =	sadd.s32 $0x88, s3;
	s6 =	simm.s32 @!p1 $0x1082;
	[sflag:s4] =	ssyncset.s32 $0xFFFFF086  }
0x25: {  	[simem:s6], [sflag:s4] =	dma.local [hbm:s3], $0xF7A  }
0x26: {  	[smem:$0x3F9B] =	sst s1;
	(tag) =	ssettag s2;
	_ =	strace s9  }
0x27: {  	s1 =	sld [smem:$0x3FAB]  }
0x28: {  	s2 =	sld [smem:$0x3FAC]  }
0x29: {  	s4 =	sld [smem:$0x3FAE]  }
0x2a: {  	p0 =	seq.s32 s5, $0x0;
	s5 =	sld [smem:$0x3FAF]  }
0x2b: {  	s6 =	sld [smem:$0x3FB0]  }
0x2c: {  	s7 =	sld [smem:$0x3FB1]  }
0x2d: {  	s3 =	simm.s32 $0x108;
	s8 =	sld [smem:$0x3FB2]  }
0x2e: {  	s3 =	simm.s32 @!p0 $0x1082;
	s9 =	sld [smem:$0x3FB3]  }
0x2f: {  	lr =	sadd.s32 s0, s3;
	s0 =	sld [smem:$0x3FAA]  }
0x30: {  	s3 =	sld [smem:$0x3FAD]  }
0x31: {  	[smem:$0x3FB6] =	sst s10  }
0x32: {  	s10 =	sld [smem:$0x3FB4];
	_ =	sdelay $0x3  }
0x33: {  	p0 =	seq.s32 s10, $0x1;
	s10 =	sld [smem:$0x3FB6];
	_ =	sdelay $0x3  }
0x34: {  	[smem:$0x3FB6] =	sst s10  }
0x35: {  	s10 =	sld [smem:$0x3FB5];
	_ =	sdelay $0x3  }
0x36: {  	p1 =	seq.s32 s10, $0x1;
	s10 =	sld [smem:$0x3FB6];
	_ =	sdelay $0x3  }
0x37: {  	[smem:$0x3FB6] =	sst s10  }
0x38: {  	s10 =	sld [smem:$0x3FB7]  }
0x39: {  	_ = 	snop;
	(pc) =	sbr.ind lr, $3  }
0x3a: {  	_ = 	snop  }
0x3b: {  	_ = 	snop  }
0x3c: {  	p2 =	seq.s32 s10, $0x1;
	s10 =	sld [smem:$0x3FB6]  }
0x3d: {  	_ =	shalt  }
0x3e: {  	_ =	shalt  }
0x3f: {  	_ =	shalt  }
0x40: {  	_ =	shalt  }
0x41: {  	_ =	shalt  }
0x42: {  	_ =	shalt  }
0x43: {  	_ =	shalt  }
0x44: {  	_ =	shalt  }
0x45: {  	_ =	shalt  }
0x46: {  	_ =	shalt  }
0x47: {  	_ =	shalt  }
0x48: {  	_ =	shalt  }
0x49: {  	_ =	shalt  }
0x4a: {  	_ =	shalt  }
0x4b: {  	_ =	shalt  }
0x4c: {  	_ =	shalt  }
0x4d: {  	_ =	shalt  }
0x4e: {  	_ =	shalt  }
0x4f: {  	_ =	shalt  }
0x50: {  	_ =	shalt  }
0x51: {  	_ =	shalt  }
0x52: {  	_ =	shalt  }
0x53: {  	_ =	shalt  }
0x54: {  	_ =	shalt  }
0x55: {  	_ =	shalt  }
0x56: {  	_ =	shalt  }
0x57: {  	_ =	shalt  }
0x58: {  	_ =	shalt  }
0x59: {  	_ =	shalt  }
0x5a: {  	_ =	shalt  }
0x5b: {  	_ =	shalt  }
0x5c: {  	_ =	shalt  }
0x5d: {  	_ =	shalt  }
0x5e: {  	_ =	shalt  }
0x5f: {  	_ =	shalt  }
0x60: {  	_ =	shalt  }
0x61: {  	_ =	shalt  }
0x62: {  	_ =	shalt  }
0x63: {  	_ =	shalt  }
0x64: {  	_ =	shalt  }
0x65: {  	_ =	shalt  }
0x66: {  	_ =	shalt  }
0x67: {  	_ =	shalt  }
0x68: {  	_ =	shalt  }
0x69: {  	_ =	shalt  }
0x6a: {  	_ =	shalt  }
0x6b: {  	_ =	shalt  }
0x6c: {  	_ =	shalt  }
0x6d: {  	_ =	shalt  }
0x6e: {  	_ =	shalt  }
0x6f: {  	_ =	shalt  }
0x70: {  	_ =	shalt  }
0x71: {  	_ =	shalt  }
0x72: {  	_ =	shalt  }
0x73: {  	_ =	shalt  }
0x74: {  	_ =	shalt  }
0x75: {  	_ =	shalt  }
0x76: {  	_ =	shalt  }
0x77: {  	_ =	shalt  }
0x78: {  	_ =	shalt  }
0x79: {  	_ =	shalt  }
0x7a: {  	_ =	shalt  }
0x7b: {  	_ =	shalt  }
0x7c: {  	_ =	shalt  }
0x7d: {  	_ =	shalt  }
0x7e: {  	_ =	shalt  }
0x7f: {  	_ =	shalt  }
0x80: {  	_ =	shalt  }
0x81: {  	_ =	shalt  }
0x82: {  	_ =	shalt  }
0x83: {  	_ =	shalt  }
0x84: {  	_ =	shalt  }
0x85: {  	_ =	shalt  }
0x86: {  	_ =	shalt  }
0x87: {  	_ =	shalt  }
.Lfunc_end0:
.L_simem_size_0:
called_computation.1_lowered:
.L_overlay_start_0:
0x88: {  	s2 =	sld [smem:$0x3FD9]  }
0x89: {  	s3 =	sld [smem:$0x3FFE];
	_ =	sdelay $0x1  }
0x8a: {  	s1 =	srdreg.scid  }
0x8b: {  	s0 =	sand.u32 $0x1, s1  }
0x8c: {  	s17 =	sshll.u32 s0, $0xA;
	s2 =	sadd.s32 s3, s2  }
0x8d: {  	s2 =	sadd.s32 s2, s17  }
0x8e: {  	[smem:$0x3FC2] =	sst s2  }
0x8f: {  	_ = 	snop  }
0x90: {  	s2 =	sld [smem:$0x3FD0];
	(tm) =	ssettm $0x1  }
0x91: {  	s18 =	sld [smem:$0x3FFB];
	_ =	sdelay $0x3  }
0x92: {  	_ =	strace s18  }
0x93: {  	s3 =	sld [smem:$0x3FFC];
	_ =	sdelay $0x3  }
0x94: {  	_ =	strace s3  }
0x95: {  	s3 =	sld [smem:$0x3FFD];
	_ =	sdelay $0x3  }
0x96: {  	_ =	strace s3  }
0x97: {  	_ =	strace $0x8FFFFFFF  }
0x98: {  	s19 =	sld [smem:$0x3FDB];
	_ =	sdelay $0x1  }
0x99: {  	s4 =	simm.s32 $_scs_section_size  }
0x9a: {  	s5 =	simm.s32 $_size__tile_overlayer_lowered;
	s6 =	simm.s32 $_tile_overlayer_lowered  }
0x9b: {  	s22 =	simm.s32 $0x1BFF;
	s21 =	sshll.u32 s6, $0x1;
	s3 =	sadd.s32 s4, s19  }
0x9c: {  	s7 =	simm.s32 $0x0;
	s20 =	sshll.u32 s5, $0x1;
	s5 =	sadd.s32 s21, s3  }
0x9d: {  	[timem:s7], [sflag:s22] =	dma.local [hbm:s5], s20  }
0x9e: {  	_ =	swait.ge [sflag:s22], s20  }
0x9f: {  	s4 =	ssub.s32 $0x0, s20;
	[sflag:s22] =	ssyncset.done $0x0  }
0xa0: {  	[sflag:s22] =	ssyncadd.s32 s4;
	_ =	sdelay $0x1  }
0xa1: {  	s23 =	simm.s32 $0x1B8B  }
0xa2: {  	_ =	swait.ge [sflag:s23], $0x1  }
0xa3: {  	[sflag:s23] =	ssyncset.done $0x0  }
0xa4: {  	s25 =	simm.s32 $0x1B8E;
	s24 =	sld [smem:$0x3FFE];
	[sflag:s23] =	ssyncadd.s32 $0xFFFFFFFF  }
0xa5: {  	s26 =	simm.s32 $execute0_lowered;
	[smem:$0x3FD2] =	sst s25  }
0xa6: {  	s5 =	sshll.u32 s26, $0x1;
	_ =	strace $0x80000049;
	[dreg:$0x1] =	wrdreg $0xFFFFFFFF  }
0xa7: {  	s28 =	simm.s32 $_size_execute0_lowered;
	s3 =	sadd.s32 s3, s5;
	[dreg:$0x0] =	wrdreg $0x0  }
0xa8: {  	s5 =	sshll.u32 s28, $0x1;
	[dreg:$0x2] =	wrdreg s3  }
0xa9: {  	[dreg:$0x3] =	wrdreg s5  }
0xaa: {  	[dreg:$0x4] =	wrdreg $0xC0  }
0xab: {  	_ =	task [dreg:s7], $0x5FFFF  }
0xac: {  	[dreg:$0x1] =	wrdreg $0xFFFFFFFF  }
0xad: {  	[dreg:$0x0] =	wrdreg $0x60  }
0xae: {  	[dreg:$0x2] =	wrdreg s24  }
0xaf: {  	[dreg:$0x3] =	wrdreg s2  }
0xb0: {  	[dreg:$0x4] =	wrdreg $0x0  }
0xb1: {  	[dreg:$0x5] =	wrdreg $0x9  }
0xb2: {  	_ =	task.clear_ibuf [dreg:s7], $0x6FFFF;
	_ =	strace $0x90000049  }
0xb3: {  	s29 =	simm.s32 $0x9;
	_ =	strace $0x8000004B  }
0xb4: {  	_ =	swait.ge [sflag:s29], $0x1  }
0xb5: {  	[sflag:s29] =	ssyncadd.s32 $0xFFFFFFFF  }
0xb6: {  	_ =	strace $0x9000004B  }
0xb7: {  	_ =	sfence  }
0xb8: {  	s30 =	sld [smem:$0x0];
	_ =	sdelay $0x2  }
0xb9: {  	s31 =	sshll.u32 s1, $0xD;
	s1 =	sshrl.u32 s1, $0x2  }
0xba: {  	s3 =	sand.u32 $0x4000, s31;
	s1 =	sadd.s32 s1, s30  }
0xbb: {  	s0 =	sor.u32 s3, s0;
	s1 =	sshll.u32 s1, $0x11  }
0xbc: {  	s0 =	sor.u32 s1, s0  }
0xbd: {  	s0 =	sadd.s32 $0x8F2B, s0  }
0xbe: {  	[sflag:s0] =	ssyncadd.remote.s32 $0x1  }
0xbf: {  	_ =	sfence.sel $0xFFFF  }
0xc0: {  	[dreg:$0x0] =	wrdreg $0xFFFFFFFF;
	(pc) =	sbr.abs _section_cstart, $3  }
0xc1: {  	[dreg:$0x1] =	wrdreg $0xFFFFFFFF  }
0xc2: {  	_ =	task.clear_ibuf [dreg:s7], $0x2FFFF;
	_ =	strace $0x9FFFFFFF  }
0xc3: {  	(tm) =	ssettm $0x7FFFFFFF  }
tec
execute0_lowered:
.L_overlay_start_1:
0x0: {  	(tag) =	ssettag $0x1  }
0x1: {  	s0 =	rddreg [dreg:$0x0]  }
0x2: {  	s1 =	srdreg.scid;
	s3 =	rddreg [dreg:$0x1]  }
0x3: {  	s2 =	rddreg [dreg:$0x2];
	s10 =	stileid.u32  }
0x4: {  	s6 =	simm.s32 $0x0;
	s28 =	simm.s32 $0x50;
	s7 =	smul.u32 $0x50000, s10  }
0x5: {  	s1 =	sand.u32 $0x1, s1;
	[smem:$0x7FF] =	sst s6;
	s15 =	smul.u32 $0x14000, s10  }
0x6: {  	s4 =	sshll.u32 s1, $0x4;
	_ =	strace $0x8000004A;
	s8 =	ssub.s32 $0x2, s1  }
0x7: {  	s1 =	smul.u32 $0x140000, s1;
	s5 =	sor.u32 s10, s4;
	s9 =	sshrl.u32 s8, $0x1  }
0x8: {  	s14 =	sshrl.u32 s7, $0x2;
	s17 =	sor.u32 $0x2800, s15;
	s21 =	sadd.s32 $0x5000, s15  }
0x9: {  	s23 =	sadd.s32 $0x7800, s15;
	s4 =	smul.u32 $0x4E2, s5;
	s5 =	sshll.u32 s5, $0xB  }
0xa: {  	s8 =	ssub.s32 s8, s9;
	s16 =	sadd.s32 s1, s15;
	s7 =	sadd.s32 s14, s2  }
0xb: {  	s19 =	sadd.s32 s1, s17;
	s22 =	sadd.s32 s1, s21;
	s24 =	sadd.s32 s1, s23  }
0xc: {  	s14 =	sadd.s32 $0xA000, s15;
	s3 =	sadd.s32 s3, s5;
	s18 =	sshrl.u32 s16, $0x3  }
0xd: {  	s20 =	sshrl.u32 s19, $0x3;
	s8 =	smax.u32 s8, $0x1;
	s5 =	sadd.s32 s21, s2  }
0xe: {  	s16 =	sadd.s32 $0xC800, s15;
	s13 =	sadd.s32 s4, s0;
	[dreg:$0x5] =	wrdreg s3  }
0xf: {  	s4 =	sadd.s32 $0xB200, s0;
	s0 =	sadd.s32 $0x33200, s0;
	[dreg:$0x7] =	wrdreg s8  }
0x10: {  	s8 =	sadd.s32 s23, s2;
	s26 =	sadd.s32 s1, s16;
	s23 =	sadd.s32 s16, s2  }
0x11: {  	s6 =	sadd.s32 $0x1400, s13;
	s3 =	sadd.s32 s0, s18;
	s13 =	sadd.s32 s1, s14  }
0x12: {  	s18 =	sadd.s32 $0x11800, s15;
	s21 =	sshrl.u32 s8, $0x3;
	[dreg:$0x4] =	wrdreg s6  }
0x13: {  	s23 =	sshrl.u32 s23, $0x3;
	[dreg:$0x6] =	wrdreg s3;
	s3 =	sadd.s32 s0, s20  }
0x14: {  	s6 =	sadd.s32 s17, s2;
	s25 =	sshrl.u32 s13, $0x3;
	s17 =	sadd.s32 $0xF000, s15  }
0x15: {  	s31 =	sadd.s32 s18, s2;
	s20 =	sshrl.u32 s5, $0x3;
	[dreg:$0x8] =	wrdreg s3  }
0x16: {  	s3 =	sshrl.u32 s22, $0x3;
	s13 =	sadd.s32 s0, s25;
	s22 =	sadd.s32 s14, s2  }
0x17: {  	s29 =	sadd.s32 s1, s17;
	s1 =	sadd.s32 s1, s18;
	s30 =	sadd.s32 s17, s2  }
0x18: {  	s17 =	simm.s32 $0x14000;
	s18 =	simm.s32 $0x3;
	s19 =	sshrl.u32 s6, $0x3  }
0x19: {  	s25 =	sshrl.u32 s31, $0x3;
	s3 =	sadd.s32 s0, s3;
	s1 =	sshrl.u32 s1, $0x3  }
0x1a: {  	s22 =	sshrl.u32 s22, $0x3;
	[dreg:$0x9] =	wrdreg s3;
	s3 =	sshrl.u32 s24, $0x3  }
0x1b: {  	s16 =	sadd.s32 s0, s1;
	s12 =	sadd.s32 s0, s3;
	s3 =	sshrl.u32 s26, $0x3  }
0x1c: {  	s24 =	sshrl.u32 s30, $0x3;
	s14 =	sadd.s32 s0, s3;
	s3 =	sshrl.u32 s29, $0x3  }
0x1d: {  	v0 =	vimm.f32 $0.0e+00;
	s1 =	simm.s32 $0x0;
	s15 =	sadd.s32 s0, s3;
	s0 =	simm.s32 $0x1F780  }
.LBB2_1:
0x1e: {  	s3 =	simm.s32 $0x0;
	s5 =	rddreg [dreg:$0x4]  }
0x1f: {  	[tilespmem:s17], [sflag:$0x3] =	stream.linear.gather [hbm4b:s5+s3], $0x2710, $0x38;
	[tilespmem:$0x1FF80] =	vst v63  }
0x20: {  	_ =	swait.ge [sflag:s18], $0x2710  }
0x21: {  	[sflag:s18] =	ssyncset.done $0x0  }
0x22: {  	s6 =	simm.s32 $0x16780;
	s26 =	rddreg [dreg:$0x5];
	[sflag:s18] =	ssyncadd.s32 $0xFFFFD8F0  }
0x23: {  	[tilespmem:s6], [sflag:$0x3] =	stream.linear.gather [hbm4b:s26+s3], $0x3E80, $0x38;
	[tilespmem:$0x1FF80] =	vst v63  }
0x24: {  	_ =	swait.ge [sflag:s18], $0x3E80  }
0x25: {  	[sflag:s18] =	ssyncset.done $0x0  }
0x26: {  	s29 =	simm.s32 $0x1A780;
	s30 =	simm.s32 $0x14050;
	[sflag:s18] =	ssyncadd.s32 $0xFFFFC180  }
0x27: {  	[tilespmem:s29], [sflag:$0x1] =	stream.indirect.gather [hbm4b:s4+s28], $0x80, s17, s28, $0xb8;
	[tilespmem:$0x1FF80] =	vst v63  }
0x28: {  	s31 =	simm.s32 $0x1CF80;
	s5 =	simm.s32 $0x200;
	s3 =	simm.s32 $0x0  }
0x29: {  	[tilespmem:s31], [sflag:$0x2] =	stream.indirect.gather [hbm4b:s4+s28], $0x80, s30, s28, $0xb8;
	[tilespmem:$0x1FF80] =	vst v63  }
.LBB2_2:
0x2a: {  	p0 =	sne.s32 s5, $0x1E00;
	[tilespmem:s3+$0x1F7F0] =	vst v0  }
0x2b: {  	[tilespmem:s3+$0x1F780] =	vst v0  }
0x2c: {  	[tilespmem:s3+$0x1F790] =	vst v0  }
.Ltmp0:
0x2d: {  	[tilespmem:s3+$0x1F7A0] =	vst v0;
	(pc) =	sbr.rel @p0 .LBB2_2-.Ltmp0, $4  }
0x2e: {  	[tilespmem:s3+$0x1F7B0] =	vst v0  }
0x2f: {  	[tilespmem:s3+$0x1F7C0] =	vst v0  }
0x30: {  	[tilespmem:s3+$0x1F7D0] =	vst v0  }
0x31: {  	[tilespmem:s3+$0x1F7E0] =	vst v0;
	s3 =	sshra.s32 s5, $0x2;
	s5 =	sadd.s32 $0x200, s5  }
0x32: {  	[tilespmem:s3+$0x1F7F0] =	vst v0  }
0x33: {  	[tilespmem:s3+$0x1F780] =	vst v0  }
0x34: {  	[tilespmem:s3+$0x1F790] =	vst v0  }
0x35: {  	[tilespmem:s3+$0x1F7A0] =	vst v0  }
0x36: {  	[tilespmem:s3+$0x1F7B0] =	vst v0  }
0x37: {  	[tilespmem:s3+$0x1F7C0] =	vst v0  }
0x38: {  	[tilespmem:s3+$0x1F7D0] =	vst v0  }
0x39: {  	[tilespmem:s3+$0x1F7E0] =	vst v0;
	s31 =	sadd.s32 $0x0, s7  }
0x3a: {  	[spmem:s31] =	stream.linear.scatter [tilespmem:s0], [sflag:$0x3], $0x800, $0x38;
	[tilespmem:$0x1FF80] =	vst v63  }
0x3b: {  	s3 =	simm.s32 $0x2000;
	_ =	swait.ge [sflag:s18], $0x800  }
.LBB2_4:
0x3c: {  	s5 =	sshra.s32 s3, $0x2;
	[sflag:s18] =	ssyncset.done $0x0;
	p0 =	sne.s32 s3, $0x4E000  }
.Ltmp1:
0x3d: {  	s5 =	sadd.s32 s5, s7;
	[sflag:s18] =	ssyncadd.s32 $0xFFFFF800;
	(pc) =	sbr.rel @p0 .LBB2_4-.Ltmp1, $3  }
0x3e: {  	[spmem:s5] =	stream.linear.scatter [tilespmem:s0], [sflag:$0x3], $0x800, $0x38;
	[tilespmem:$0x1FF80] =	vst v63  }
0x3f: {  	s3 =	sadd.s32 $0x2000, s3;
	_ =	sdelay $0x1  }
0x40: {  	_ =	swait.ge [sflag:s18], $0x800  }
0x41: {  	s3 =	simm.s32 $0x0  }
0x42: {  	[sflag:s18] =	ssyncset.done $0x0;
	s3 =	sand.u32 $0x1, s3  }
0x43: {  	s6 =	simm.s32 $0x16780;
	[sflag:s18] =	ssyncadd.s32 $0xFFFFF800;
	p0 =	seq.s32 s3, $0x1  }
0x44: {  	[bflag:$0x0] =	sbarrier.arrive $0xFFFF;
	s5 =	simm.s32 @p0 $0x2;
	p0 =	por p0, p0  }
0x45: {  	s31 =	simm.s32 $0x140A0;
	s26 =	simm.s32 $0x1;
	_ =	swait.ge @p0 [sflag:s5], $0x2800  }
0x46: {  	s30 =	simm.s32 $0x16800;
	s8 =	simm.s32 @p0 $0x3;
	[sflag:s5] =	ssyncset.done @p0 $0x0  }
0x47: {  	s29 =	simm.s32 @p0 $0x1CF80;
	[sflag:s5] =	ssyncadd.s32 @p0 $0xFFFFD800;
	s5 =	simm.s32 @p0 $0x50  }
0x48: {  	[spmem:s2] =	stream.indirect.scatter.add.f32 @p0 [tilespmem:s29], [sflag:$0x3], $0x80, s6, s5, $0xb8;
	[tilespmem:$0x1FF80] =	vst v63  }
0x49: {  	s11 =	sand.u32 $0x1, s26;
	p1 =	por @p0 $0x0, $0x0;
	_ =	swait.ge @p0 [sflag:s8], $0x2800  }
0x4a: {  	s9 =	simm.s32 @!p0 $0x1;
	p1 =	por p1, !p0;
	[sflag:s8] =	ssyncset.done @p0 $0x0  }
0x4b: {  	s5 =	simm.s32 @!p1 $0x50;
	[sflag:s8] =	ssyncadd.s32 @p0 $0xFFFFD800;
	s8 =	simm.s32 @!p1 $0x1CF80  }
0x4c: {  	[tilespmem:s8], [sflag:$0x2] =	stream.indirect.gather @!p1 [hbm4b:s4+s5], $0x80, s31, s5, $0xb8;
	[tilespmem:$0x1FF80] =	vst v63  }
0x4d: {  	s3 =	simm.s32 $0x2;
	p3 =	seq.s32 s11, $0x1;
	_ =	swait.ge @!p0 [sflag:s9], $0x2800  }
0x4e: {  	s8 =	simm.s32 @!p0 $0x1A780;
	s5 =	simm.s32 @!p0 $0x3;
	[sflag:s9] =	ssyncset.done @!p0 $0x0  }
0x4f: {  	p1 =	por @!p0 $0x0, $0x0;
	[sflag:s9] =	ssyncadd.s32 @!p0 $0xFFFFD800;
	s9 =	simm.s32 @!p0 $0x50  }
0x50: {  	[spmem:s2] =	stream.indirect.scatter.add.f32 @!p0 [tilespmem:s8], [sflag:$0x3], $0x80, s6, s9, $0xb8;
	[tilespmem:$0x1FF80] =	vst v63  }
0x51: {  	s29 =	simm.s32 $0x140F0;
	p2 =	por p1, p0;
	_ =	swait.ge @!p0 [sflag:s5], $0x2800  }
0x52: {  	s6 =	simm.s32 @!p2 $0x1A780;
	s8 =	simm.s32 @!p2 $0x50;
	[sflag:s5] =	ssyncset.done @!p0 $0x0  }
.LBB2_6:
0x53: {  	s9 =	simm.s32 @p3 $0x2  }
0x54: {  	[sflag:s5] =	ssyncadd.s32 @!p0 $0xFFFFD800;
	s10 =	smov.u32 s26;
	s26 =	smov.u32 s3  }
0x55: {  	s3 =	sadd.s32 $0x1, s3;
	s11 =	smov.u32 s30;
	p0 =	por p3, p3  }
0x56: {  	[tilespmem:s6], [sflag:$0x1] =	stream.indirect.gather @!p2 [hbm4b:s4+s8], $0x80, s31, s8, $0xb8;
	[tilespmem:$0x1FF80] =	vst v63  }
0x57: {  	p1 =	sne.s32 s3, $0x7D;
	s31 =	smov.u32 s29;
	_ =	swait.ge @p0 [sflag:s9], $0x2800  }
0x58: {  	s5 =	simm.s32 @p0 $0x3;
	s29 =	sadd.s32 $0x50, s29;
	[sflag:s9] =	ssyncset.done @p0 $0x0  }
0x59: {  	s6 =	simm.s32 @p0 $0x50;
	s8 =	simm.s32 @p0 $0x1CF80;
	[sflag:s9] =	ssyncadd.s32 @p0 $0xFFFFD800  }
0x5a: {  	[spmem:s2] =	stream.indirect.scatter.add.f32 @p0 [tilespmem:s8], [sflag:$0x3], $0x80, s30, s6, $0xb8;
	[tilespmem:$0x1FF80] =	vst v63  }
0x5b: {  	p2 =	sgt.u32 @p0 s10, $0x7A;
	s30 =	sadd.s32 $0x80, s30;
	_ =	swait.ge @p0 [sflag:s5], $0x2800  }
0x5c: {  	p2 =	por p2, !p0;
	s6 =	simm.s32 @!p0 $0x1;
	[sflag:s5] =	ssyncset.done @p0 $0x0  }
0x5d: {  	s8 =	simm.s32 @!p2 $0x1CF80;
	[sflag:s5] =	ssyncadd.s32 @p0 $0xFFFFD800;
	s5 =	simm.s32 @!p2 $0x50  }
0x5e: {  	[tilespmem:s8], [sflag:$0x2] =	stream.indirect.gather @!p2 [hbm4b:s4+s5], $0x80, s31, s5, $0xb8;
	[tilespmem:$0x1FF80] =	vst v63  }
0x5f: {  	s8 =	simm.s32 @!p0 $0x1A780;
	s5 =	simm.s32 @!p0 $0x3;
	_ =	swait.ge @!p0 [sflag:s6], $0x2800  }
.Ltmp2:
0x60: {  	p2 =	sgt.u32 @!p0 s10, $0x7A;
	[sflag:s6] =	ssyncset.done @!p0 $0x0;
	(pc) =	sbr.rel @p1 .LBB2_6-.Ltmp2, $4  }
0x61: {  	p2 =	por p2, p0;
	[sflag:s6] =	ssyncadd.s32 @!p0 $0xFFFFD800;
	s6 =	simm.s32 @!p0 $0x50  }
0x62: {  	[spmem:s2] =	stream.indirect.scatter.add.f32 @!p0 [tilespmem:s8], [sflag:$0x3], $0x80, s11, s6, $0xb8;
	[tilespmem:$0x1FF80] =	vst v63  }
0x63: {  	s8 =	sand.u32 $0x1, s26;
	s6 =	simm.s32 @!p2 $0x1A780;
	_ =	swait.ge @!p0 [sflag:s5], $0x2800  }
0x64: {  	p3 =	seq.s32 s8, $0x1;
	s8 =	simm.s32 @!p2 $0x50;
	[sflag:s5] =	ssyncset.done @!p0 $0x0  }
0x65: {  	[sflag:s5] =	ssyncadd.s32 @!p0 $0xFFFFD800;
	s3 =	simm.s32 @p3 $0x2;
	p0 =	por p3, p3  }
0x66: {  	[tilespmem:s6], [sflag:$0x1] =	stream.indirect.gather @!p2 [hbm4b:s4+s8], $0x80, s31, s8, $0xb8;
	[tilespmem:$0x1FF80] =	vst v63  }
0x67: {  	_ =	swait.ge @p0 [sflag:s3], $0x2800  }
0x68: {  	[sflag:s3] =	ssyncset.done @p0 $0x0  }
0x69: {  	s5 =	simm.s32 @p0 $0x1CF80;
	[sflag:s3] =	ssyncadd.s32 @p0 $0xFFFFD800;
	s3 =	simm.s32 @p0 $0x50  }
0x6a: {  	[spmem:s2] =	stream.indirect.scatter.add.f32 @p0 [tilespmem:s5], [sflag:$0x3], $0x80, s30, s3, $0xb8;
	[tilespmem:$0x1FF80] =	vst v63  }
0x6b: {  	s3 =	simm.s32 @p0 $0x3  }
0x6c: {  	p1 =	sgt.u32 @p0 s26, $0x7A;
	_ =	swait.ge @p0 [sflag:s3], $0x2800  }
0x6d: {  	p1 =	por p1, !p0;
	[sflag:s3] =	ssyncset.done @p0 $0x0  }
0x6e: {  	s5 =	simm.s32 @!p1 $0x1CF80;
	[sflag:s3] =	ssyncadd.s32 @p0 $0xFFFFD800;
	s3 =	simm.s32 @!p1 $0x50  }
0x6f: {  	[tilespmem:s5], [sflag:$0x2] =	stream.indirect.gather @!p1 [hbm4b:s4+s3], $0x80, s29, s3, $0xb8;
	[tilespmem:$0x1FF80] =	vst v63  }
0x70: {  	s3 =	simm.s32 @!p0 $0x1  }
0x71: {  	_ =	swait.ge @!p0 [sflag:s3], $0x2800  }
0x72: {  	[sflag:s3] =	ssyncset.done @!p0 $0x0  }
0x73: {  	s5 =	simm.s32 @!p0 $0x1A780;
	[sflag:s3] =	ssyncadd.s32 @!p0 $0xFFFFD800;
	s3 =	simm.s32 @!p0 $0x50  }
0x74: {  	[spmem:s2] =	stream.indirect.scatter.add.f32 @!p0 [tilespmem:s5], [sflag:$0x3], $0x80, s30, s3, $0xb8;
	[tilespmem:$0x1FF80] =	vst v63  }
0x75: {  	s3 =	simm.s32 @!p0 $0x3  }
0x76: {  	p1 =	sgt.u32 @!p0 s26, $0x7A;
	_ =	swait.ge @!p0 [sflag:s3], $0x2800  }
0x77: {  	s10 =	stileid.u32;
	p1 =	por p1, p0;
	[sflag:s3] =	ssyncset.done @!p0 $0x0  }
0x78: {  	s5 =	simm.s32 @!p1 $0x1A780;
	[sflag:s3] =	ssyncadd.s32 @!p0 $0xFFFFD800;
	s3 =	simm.s32 @!p1 $0x50  }
0x79: {  	[tilespmem:s5], [sflag:$0x1] =	stream.indirect.gather @!p1 [hbm4b:s4+s3], $0x80, s29, s3, $0xb8;
	[tilespmem:$0x1FF80] =	vst v63  }
0x7a: {  	s3 =	sshll.u32 s10, $0x6;
	[bflag:$0x0] =	sbarrier.arrive $0xFFFF  }
0x7b: {  	s11 =	sshrl.u32 s7, $0x3;
	s3 =	sor.u32 $0x1C03, s3;
	s26 =	rddreg [dreg:$0x6]  }
0x7c: {  	[hbm:s26], [sflag:s3] =	dma.local [spmem:s11], $0x500  }
0x7d: {  	_ =	swait.ge [sflag:s18], $0x500  }
0x7e: {  	[sflag:s18] =	ssyncset.done $0x0  }
0x7f: {  	s29 =	rddreg [dreg:$0x8];
	[sflag:s18] =	ssyncadd.s32 $0xFFFFFB00  }
0x80: {  	[hbm:s29], [sflag:s3] =	dma.local [spmem:s19], $0x500  }
0x81: {  	_ =	swait.ge [sflag:s18], $0x500  }
0x82: {  	[sflag:s18] =	ssyncset.done $0x0  }
0x83: {  	s30 =	rddreg [dreg:$0x9];
	[sflag:s18] =	ssyncadd.s32 $0xFFFFFB00  }
0x84: {  	[hbm:s30], [sflag:s3] =	dma.local [spmem:s20], $0x500  }
0x85: {  	_ =	swait.ge [sflag:s18], $0x500  }
0x86: {  	[sflag:s18] =	ssyncset.done $0x0  }
0x87: {  	[sflag:s18] =	ssyncadd.s32 $0xFFFFFB00  }
0x88: {  	[hbm:s12], [sflag:s3] =	dma.local [spmem:s21], $0x500  }
0x89: {  	_ =	swait.ge [sflag:s18], $0x500  }
0x8a: {  	[sflag:s18] =	ssyncset.done $0x0  }
0x8b: {  	[sflag:s18] =	ssyncadd.s32 $0xFFFFFB00  }
0x8c: {  	[hbm:s13], [sflag:s3] =	dma.local [spmem:s22], $0x500  }
0x8d: {  	_ =	swait.ge [sflag:s18], $0x500  }
0x8e: {  	[sflag:s18] =	ssyncset.done $0x0  }
0x8f: {  	[sflag:s18] =	ssyncadd.s32 $0xFFFFFB00  }
0x90: {  	[hbm:s14], [sflag:s3] =	dma.local [spmem:s23], $0x500  }
0x91: {  	_ =	swait.ge [sflag:s18], $0x500  }
0x92: {  	[sflag:s18] =	ssyncset.done $0x0  }
0x93: {  	[sflag:s18] =	ssyncadd.s32 $0xFFFFFB00  }
0x94: {  	[hbm:s15], [sflag:s3] =	dma.local [spmem:s24], $0x500  }
0x95: {  	_ =	swait.ge [sflag:s18], $0x500  }
0x96: {  	[sflag:s18] =	ssyncset.done $0x0  }
0x97: {  	[sflag:s18] =	ssyncadd.s32 $0xFFFFFB00  }
0x98: {  	[hbm:s16], [sflag:s3] =	dma.local [spmem:s25], $0x500  }
0x99: {  	_ =	swait.ge [sflag:s18], $0x500  }
0x9a: {  	s1 =	sadd.s32 $0x1, s1;
	s31 =	rddreg [dreg:$0x7]  }
0x9b: {  	p0 =	sne.s32 s1, s31  }
.Ltmp3:
0x9c: {  	_ = 	snop;
	(pc) =	sbr.rel @p0 .LBB2_1-.Ltmp3, $3  }
0x9d: {  	_ =	sdelay $0x1  }
0x9e: {  	[sflag:s18] =	ssyncset.done $0x0  }
0x9f: {  	[sflag:s18] =	ssyncadd.s32 $0xFFFFFB00  }
0xa0: {  	_ =	sfence.sel $0x180000  }
0xa1: {  	[bflag:$0x0] =	sbarrier.arrive $0xFFFF  }
0xa2: {  	_ =	strace $0x9000004A  }
0xa3: {  	s0 =	stileid.u32;
	[bflag:$0x2] =	sbarrier.arrive $0xFFFF  }
0xa4: {  	p0 =	sne.s32 s0, $0x0;
	s0 =	rddreg [dreg:$0x3]  }
0xa5: {  	s0 =	sadd.s32 @!p0 $0x100000, s0  }
0xa6: {  	[sflag:s0] =	ssyncadd.tile.s32 @!p0 $0x1;
	_ =	shalt  }
.Lfunc_end2:
_tile_overlayer_lowered:
.L_overlay_start_2:
0xa7: {  	(tag) =	ssettag $0x2  }
0xa8: {  	s0 =	rddreg [dreg:$0x0];
	s2 =	stileid.u32  }
0xa9: {  	s1 =	rddreg [dreg:$0x1];
	p0 =	sne.s32 s2, $0x0  }
0xaa: {  	s3 =	rddreg [dreg:$0x2];
	[bflag:$0x3] =	sbarrier.arrive $0xFFFF;
	s2 =	simm.s32 @!p0 $0x1C03  }
0xab: {  	[timem:s3], [sflag:s2] =	dma.local @!p0 [hbm:s0], s1  }
0xac: {  	s0 =	simm.s32 @!p0 $0x3  }
0xad: {  	_ =	swait.ge @!p0 [sflag:s0], s1  }
0xae: {  	s1 =	ssub.s32 @!p0 $0x0, s1;
	[sflag:s0] =	ssyncset.done @!p0 $0x0  }
0xaf: {  	[sflag:s0] =	ssyncadd.s32 @!p0 s1  }
0xb0: {  	[bflag:$0x3] =	sbarrier.arrive $0xFFFF  }
0xb1: {  	_ =	shalt  }

</sc_bundles>
